<compile_context>
chip_gen: v7x
topology: tpu7x:2x2x1
jax: 0.10.2.dev20260603
libtpu: 0.0.44.dev20260713+nightly
codegen_flags: <defaults>
</compile_context>

<pallas_src>
import functools

import jax
import jax.numpy as jnp
from jax import lax
from jax.experimental import pallas as pl
from jax.experimental.pallas import tpu as pltpu
import jax.experimental.pallas.tpu_sc as plsc

N = 10000
E = 320000
NG = 64
NW = 32
K = 128
NB = 80
CHB = 16
NCH = NB // CHB
EPW = NB * K
NPAD = 10240
RPS = NPAD // 16
BN = 400
GRID = N // BN


def _deg_body(dst_hbm, ones_hbm, zeros_hbm, out_hbm, dst_v, ones_v, deg_sh, sem):
    cid = lax.axis_index("c")
    sid = lax.axis_index("s")
    wid = cid * 16 + sid
    pltpu.sync_copy(dst_hbm.at[wid], dst_v)
    pltpu.sync_copy(ones_hbm, ones_v)
    pltpu.sync_copy(zeros_hbm, deg_sh.at[pl.ds(sid * RPS, RPS)])
    plsc.subcore_barrier()

    def step(j, carry):
        pltpu.sync_copy(ones_v, deg_sh.at[dst_v.at[j]], add=True)
        return carry

    lax.fori_loop(0, NB, step, 0)
    plsc.subcore_barrier()
    pltpu.sync_copy(deg_sh.at[pl.ds(sid * RPS, RPS)],
                    out_hbm.at[cid, pl.ds(sid * RPS, RPS)])


@functools.lru_cache(maxsize=None)
def _build_sc_kernels():
    mesh = plsc.VectorSubcoreMesh(core_axis_name="c", subcore_axis_name="s")
    deg = pl.kernel(
        _deg_body,
        out_type=jax.ShapeDtypeStruct((2, NPAD, 128), jnp.float32),
        mesh=mesh,
        scratch_types=[
            pltpu.VMEM((NB, K), jnp.int32),
            pltpu.VMEM((K, 128), jnp.float32),
            pltpu.VMEM_SHARED((NPAD, 128), jnp.float32),
            pltpu.SemaphoreType.DMA,
        ],
    )
    prop = pl.kernel(
        _prop_body,
        out_type=jax.ShapeDtypeStruct((2, NPAD, 128), jnp.float32),
        mesh=mesh,
        scratch_types=[
            pltpu.VMEM((NB, K), jnp.int32),
            pltpu.VMEM((NB, K), jnp.int32),
            pltpu.VMEM((K, 128), jnp.float32),
            pltpu.VMEM_SHARED((NPAD, 128), jnp.float32),
            pltpu.SemaphoreType.DMA,
        ],
    )
    return deg, prop


def _sc_degree(dst, ones_rows, zrows):
    return _build_sc_kernels()[0](dst, ones_rows, zrows)


def _sc_prop(y, src, dst, zrows):
    return _build_sc_kernels()[1](y, src, dst, zrows)


def _prop_body(y_hbm, src_hbm, dst_hbm, zeros_hbm, out_hbm,
               src_v, dst_v, rows_v, agg_sh, sem):
    cid = lax.axis_index("c")
    sid = lax.axis_index("s")
    wid = cid * 16 + sid
    pltpu.sync_copy(src_hbm.at[wid], src_v)
    pltpu.sync_copy(dst_hbm.at[wid], dst_v)
    pltpu.sync_copy(zeros_hbm, agg_sh.at[pl.ds(sid * RPS, RPS)])
    plsc.subcore_barrier()

    def step(j, carry):
        pltpu.sync_copy(y_hbm.at[src_v.at[j]], rows_v)
        pltpu.sync_copy(rows_v, agg_sh.at[dst_v.at[j]], add=True)
        return carry

    lax.fori_loop(0, NB, step, 0)
    plsc.subcore_barrier()
    pltpu.sync_copy(agg_sh.at[pl.ds(sid * RPS, RPS)],
                    out_hbm.at[cid, pl.ds(sid * RPS, RPS)])



def _tc1_body(deg_ref, x_ref, w1_ref, y1_ref, dinv_ref):
    deg = deg_ref[0, :, 0:1] + deg_ref[1, :, 0:1] + 1.0
    dinv = lax.rsqrt(deg)
    xw = jnp.dot(x_ref[...], w1_ref[...], preferred_element_type=jnp.float32)
    y1_ref[...] = xw * dinv
    dinv_ref[...] = jnp.broadcast_to(dinv, xw.shape)


def _tc1(deg_parts, x, w1):
    return pl.pallas_call(
        _tc1_body,
        grid=(GRID,),
        in_specs=[
            pl.BlockSpec((2, BN, 128), lambda i: (0, i, 0)),
            pl.BlockSpec((BN, 128), lambda i: (i, 0)),
            pl.BlockSpec((128, 128), lambda i: (0, 0)),
        ],
        out_specs=[
            pl.BlockSpec((BN, 128), lambda i: (i, 0)),
            pl.BlockSpec((BN, 128), lambda i: (i, 0)),
        ],
        out_shape=[
            jax.ShapeDtypeStruct((N, 128), jnp.float32),
            jax.ShapeDtypeStruct((N, 128), jnp.float32),
        ],
    )(deg_parts, x, w1)


def _tc2_body(agg_ref, y1_ref, dinv_ref, b1_ref, y2_ref):
    agg = agg_ref[0] + agg_ref[1]
    dinv = dinv_ref[...]
    h1 = jnp.maximum(dinv * (agg + y1_ref[...]) + b1_ref[...], 0.0)
    y2_ref[...] = dinv * h1


def _tc2(agg_parts, y1, dinv, b1):
    return pl.pallas_call(
        _tc2_body,
        grid=(GRID,),
        in_specs=[
            pl.BlockSpec((2, BN, 128), lambda i: (0, i, 0)),
            pl.BlockSpec((BN, 128), lambda i: (i, 0)),
            pl.BlockSpec((BN, 128), lambda i: (i, 0)),
            pl.BlockSpec((1, 128), lambda i: (0, 0)),
        ],
        out_specs=pl.BlockSpec((BN, 128), lambda i: (i, 0)),
        out_shape=jax.ShapeDtypeStruct((N, 128), jnp.float32),
    )(agg_parts, y1, dinv, b1)


def _tc3_body(agg_ref, y2_ref, dinv_ref, w2_ref, b2_ref, w3_ref, y3_ref):
    agg = agg_ref[0] + agg_ref[1]
    dinv = dinv_ref[...]
    p2 = dinv * (agg + y2_ref[...])
    h2 = jnp.maximum(
        jnp.dot(p2, w2_ref[...], preferred_element_type=jnp.float32)
        + b2_ref[...], 0.0)
    xw3 = jnp.dot(h2, w3_ref[...], preferred_element_type=jnp.float32)
    y3 = jnp.concatenate([dinv, dinv], axis=1) * xw3
    y3_ref[0] = y3[:, :128]
    y3_ref[1] = y3[:, 128:]


def _tc3(agg_parts, y2, dinv, w2, b2, w3):
    return pl.pallas_call(
        _tc3_body,
        grid=(GRID,),
        in_specs=[
            pl.BlockSpec((2, BN, 128), lambda i: (0, i, 0)),
            pl.BlockSpec((BN, 128), lambda i: (i, 0)),
            pl.BlockSpec((BN, 128), lambda i: (i, 0)),
            pl.BlockSpec((128, 256), lambda i: (0, 0)),
            pl.BlockSpec((1, 256), lambda i: (0, 0)),
            pl.BlockSpec((256, 256), lambda i: (0, 0)),
        ],
        out_specs=pl.BlockSpec((2, BN, 128), lambda i: (0, i, 0)),
        out_shape=jax.ShapeDtypeStruct((2, N, 128), jnp.float32),
    )(agg_parts, y2, dinv, w2, b2, w3)


def _tc4_body(a0_ref, a1_ref, y3_ref, dinv_ref, b3_ref, batch_ref,
              wf1_ref, bf1_ref, wf2_ref, bf2_ref, out_ref,
              pooled_acc, count_acc):
    i = pl.program_id(0)

    @pl.when(i == 0)
    def _init():
        pooled_acc[...] = jnp.zeros_like(pooled_acc)
        count_acc[...] = jnp.zeros_like(count_acc)

    dinv = dinv_ref[...]
    h3a = dinv * (a0_ref[0] + a0_ref[1] + y3_ref[0])
    h3b = dinv * (a1_ref[0] + a1_ref[1] + y3_ref[1])
    h3 = jnp.maximum(jnp.concatenate([h3a, h3b], axis=1) + b3_ref[...], 0.0)

    b = batch_ref[0, 0]
    gids = lax.broadcasted_iota(jnp.int32, (NG, BN), 0)
    onehot = jnp.where(b[None, :] == gids, 1.0, 0.0)
    pooled_acc[...] += jnp.dot(onehot, h3, preferred_element_type=jnp.float32)
    count_acc[...] += jnp.broadcast_to(
        jnp.sum(onehot, axis=1, keepdims=True), count_acc.shape)

    @pl.when(i == pl.num_programs(0) - 1)
    def _final():
        cnt = jnp.maximum(count_acc[:, 0:1], 1.0)
        pooled = pooled_acc[...] / cnt
        g = jnp.maximum(
            jnp.dot(pooled, wf1_ref[...], preferred_element_type=jnp.float32)
            + bf1_ref[...], 0.0)
        out_ref[...] = (
            jnp.dot(g, wf2_ref[...], preferred_element_type=jnp.float32)
            + bf2_ref[...])


def _tc4(a0, a1, y3p, dinv, b3, batch3, wf1, bf1, wf2, bf2):
    return pl.pallas_call(
        _tc4_body,
        grid=(GRID,),
        in_specs=[
            pl.BlockSpec((2, BN, 128), lambda i: (0, i, 0)),
            pl.BlockSpec((2, BN, 128), lambda i: (0, i, 0)),
            pl.BlockSpec((2, BN, 128), lambda i: (0, i, 0)),
            pl.BlockSpec((BN, 128), lambda i: (i, 0)),
            pl.BlockSpec((1, 256), lambda i: (0, 0)),
            pl.BlockSpec((1, 1, BN), lambda i: (i, 0, 0)),
            pl.BlockSpec((256, 512), lambda i: (0, 0)),
            pl.BlockSpec((1, 512), lambda i: (0, 0)),
            pl.BlockSpec((512, 10), lambda i: (0, 0)),
            pl.BlockSpec((1, 10), lambda i: (0, 0)),
        ],
        out_specs=pl.BlockSpec((NG, 10), lambda i: (0, 0)),
        out_shape=jax.ShapeDtypeStruct((NG, 10), jnp.float32),
        scratch_shapes=[
            pltpu.VMEM((NG, 256), jnp.float32),
            pltpu.VMEM((NG, 128), jnp.float32),
        ],
    )(a0, a1, y3p, dinv, b3, batch3, wf1, bf1, wf2, bf2)



def _prep_edges(edge_index):
    src = edge_index[0].astype(jnp.int32).reshape(NW, E // NW)
    dst = edge_index[1].astype(jnp.int32).reshape(NW, E // NW)
    pad = EPW - E // NW
    src = jnp.pad(src, ((0, 0), (0, pad)), constant_values=0)
    dst = jnp.pad(dst, ((0, 0), (0, pad)), constant_values=NPAD - 1)
    return src.reshape(NW, NB, K), dst.reshape(NW, NB, K)


def kernel(x, edge_index, batch, W1, b1, W2, b2, W3, b3,
           Wfc1, bfc1, Wfc2, bfc2):
    src, dst = _prep_edges(edge_index)
    ones128 = jnp.ones((K, 128), jnp.float32)
    z128 = jnp.zeros((RPS, 128), jnp.float32)
    batch3 = batch.astype(jnp.int32).reshape(GRID, 1, BN)

    deg_parts = _sc_degree(dst, ones128, z128)
    y1, dinv = _tc1(deg_parts, x, W1)
    agg1 = _sc_prop(y1, src, dst, z128)
    y2 = _tc2(agg1, y1, dinv, b1.reshape(1, 128))
    agg2 = _sc_prop(y2, src, dst, z128)
    y3p = _tc3(agg2, y2, dinv, W2, b2.reshape(1, 256), W3)
    a30 = _sc_prop(y3p[0], src, dst, z128)
    a31 = _sc_prop(y3p[1], src, dst, z128)
    return _tc4(a30, a31, y3p, dinv, b3.reshape(1, 256), batch3,
                Wfc1, bfc1.reshape(1, 512), Wfc2, bfc2.reshape(1, 10))

# --- scband reference (transcript-rebuilt; emitter-appended) ---
"""Pipeline reference for scband-universe-gnn-8727373546166 (READ-ONLY COPY).

The authoritative reference and input builder live on the scoring server;
editing this copy changes nothing except your own understanding.
"""

import jax, jax.numpy as jnp
import numpy as np

N_NODES = 10000
N_EDGES = 320000
D_FEAT = 128
N_GRAPHS = 64
OUT_DIM = 10


def glorot(key, shape):
    fan_in, fan_out = shape[0], shape[1]
    limit = float(np.sqrt(6.0 / (fan_in + fan_out)))
    return jax.random.uniform(key, shape, jnp.float32, -limit, limit)


def setup_inputs(seed: int = 0) -> dict:
    key = jax.random.key(seed)
    ks = jax.random.split(key, 16)
    x = jax.random.normal(ks[0], (N_NODES, D_FEAT), jnp.float32)
    edge_index = jax.random.randint(ks[1], (2, N_EDGES), 0, N_NODES, jnp.int64)
    batch = jnp.sort(jax.random.randint(ks[2], (N_NODES,), 0, N_GRAPHS, jnp.int64))
    W1 = glorot(ks[3], (D_FEAT, 128)); b1 = jnp.zeros((128,), jnp.float32)
    W2 = glorot(ks[4], (128, 256)); b2 = jnp.zeros((256,), jnp.float32)
    W3 = glorot(ks[5], (256, 256)); b3 = jnp.zeros((256,), jnp.float32)
    Wfc1 = glorot(ks[6], (256, 512)); bfc1 = jnp.zeros((512,), jnp.float32)
    Wfc2 = glorot(ks[7], (512, OUT_DIM)); bfc2 = jnp.zeros((OUT_DIM,), jnp.float32)
    return {"x": x, "edge_index": edge_index, "batch": batch,
            "W1": W1, "b1": b1, "W2": W2, "b2": b2, "W3": W3, "b3": b3,
            "Wfc1": Wfc1, "bfc1": bfc1, "Wfc2": Wfc2, "bfc2": bfc2}


def gcn_conv(x, src, dst, norm, W, b, n_nodes):
    # GCNConv: out = D^{-1/2} (A + I) D^{-1/2} X W + b (self-loops already in src/dst)
    xw = x @ W
    msg = jnp.take(xw, src, axis=0) * norm[:, None]
    out = jnp.zeros((n_nodes, W.shape[1]), jnp.float32).at[dst].add(msg)
    return out + b


def reference(x, edge_index, batch, W1, b1, W2, b2, W3, b3, Wfc1, bfc1, Wfc2, bfc2):
    n = x.shape[0]
    loop = jnp.arange(n, dtype=edge_index.dtype)
    src = jnp.concatenate([edge_index[0], loop])
    dst = jnp.concatenate([edge_index[1], loop])
    deg = jnp.zeros((n,), jnp.float32).at[dst].add(1.0)
    dinv = jnp.where(deg > 0, 1.0 / jnp.sqrt(deg), 0.0)
    norm = dinv[src] * dinv[dst]

    h = jax.nn.relu(gcn_conv(x, src, dst, norm, W1, b1, n))
    h = jax.nn.relu(gcn_conv(h, src, dst, norm, W2, b2, n))
    h = jax.nn.relu(gcn_conv(h, src, dst, norm, W3, b3, n))

    # global_mean_pool
    sums = jax.ops.segment_sum(h, batch, num_segments=N_GRAPHS)
    counts = jax.ops.segment_sum(jnp.ones((n,), jnp.float32), batch, num_segments=N_GRAPHS)
    pooled = sums / jnp.maximum(counts, 1.0)[:, None]

    g = jax.nn.relu(pooled @ Wfc1 + bfc1)
    # dropout is identity in eval mode
    out = g @ Wfc2 + bfc2
    return out

if __name__ == "__main__":
    import jax
    _d = setup_inputs()
    print(jax.jit(kernel)(*tuple(_d.values())))

</pallas_src>

<mosaic_0001>
#map = affine_map<(d0, d1) -> (0, 0)>
#map1 = affine_map<(d0, d1) -> (0, 0, 0)>
module attributes {stable_mosaic.version = 14 : i64} {
  func.func @_prop_body(%arg0: i32, %arg1: i32, %arg2: memref<10000x128xf32, #tpu.memory_space<hbm>>, %arg3: memref<32x80x128xi32, #tpu.memory_space<hbm>>, %arg4: memref<32x80x128xi32, #tpu.memory_space<hbm>>, %arg5: memref<640x128xf32, #tpu.memory_space<hbm>>, %arg6: memref<2x10240x128xf32, #tpu.memory_space<hbm>>, %arg7: memref<80x128xi32, #tpu.memory_space<vmem>>, %arg8: memref<80x128xi32, #tpu.memory_space<vmem>>, %arg9: memref<128x128xf32, #tpu.memory_space<vmem>>, %arg10: memref<10240x128xf32, #tpu.memory_space<vmem_shared>>, %arg11: memref<!tpu.dma_semaphore, #tpu.memory_space<semaphore_mem>>) attributes {dimension_semantics = [#tpu.dimension_semantics<core_parallel>, #tpu.dimension_semantics<subcore_parallel>], iteration_bounds = array<i64: 2, 16>, scalar_prefetch = 0 : i64, scratch_operands = 5 : i64, tpu.core_type = #tpu.core_type<sc_vector_subcore>, window_params = [{transform_indices = #map}, {transform_indices = #map1}, {transform_indices = #map1}, {transform_indices = #map}, {transform_indices = #map1}]} {
    %mul3A = arith.constant 16 : i32
    %mul3A_0 = arith.muli %arg0, %mul3A : i32
    %add3A = arith.addi %mul3A_0, %arg1 : i32
    "tpu.region"() ({
      %run_scoped3A = tpu.sem_alloc : memref<!tpu.dma_semaphore, #tpu.memory_space<semaphore_mem>>
      %dma_start3A = arith.constant 0 : i32
      %dma_start3A_13 = arith.constant 0 : i32
      %dma_start3A_14 = tpu.memref_slice %arg3[%add3A, %dma_start3A, %dma_start3A_13] : memref<32x80x128xi32, #tpu.memory_space<hbm>> -> memref<1x80x128xi32, #tpu.memory_space<hbm>>
      %dma_start3A_15 = tpu.memref_squeeze %dma_start3A_14 : memref<1x80x128xi32, #tpu.memory_space<hbm>> -> memref<80x128xi32, #tpu.memory_space<hbm>>
      %dma_start3A_16 = arith.constant 0 : i32
      %dma_start3A_17 = arith.constant 0 : i32
      %dma_start3A_18 = tpu.memref_slice %arg3[%add3A, %dma_start3A_16, %dma_start3A_17] : memref<32x80x128xi32, #tpu.memory_space<hbm>> -> memref<1x80x128xi32, #tpu.memory_space<hbm>>
      %dma_start3A_19 = tpu.memref_squeeze %dma_start3A_18 : memref<1x80x128xi32, #tpu.memory_space<hbm>> -> memref<80x128xi32, #tpu.memory_space<hbm>>
      tpu.enqueue_dma source(%dma_start3A_19 : memref<80x128xi32, #tpu.memory_space<hbm>>) target(%arg7 : memref<80x128xi32, #tpu.memory_space<vmem>>) target_semaphore(%run_scoped3A : memref<!tpu.dma_semaphore, #tpu.memory_space<semaphore_mem>>)
      %dma_wait3A = arith.constant 0 : i32
      %dma_wait3A_20 = arith.constant 0 : i32
      %dma_wait3A_21 = tpu.memref_slice %arg3[%add3A, %dma_wait3A, %dma_wait3A_20] : memref<32x80x128xi32, #tpu.memory_space<hbm>> -> memref<1x80x128xi32, #tpu.memory_space<hbm>>
      %dma_wait3A_22 = tpu.memref_squeeze %dma_wait3A_21 : memref<1x80x128xi32, #tpu.memory_space<hbm>> -> memref<80x128xi32, #tpu.memory_space<hbm>>
      %dma_wait3A_23 = arith.constant 0 : i32
      %dma_wait3A_24 = arith.constant 0 : i32
      %dma_wait3A_25 = tpu.memref_slice %arg3[%add3A, %dma_wait3A_23, %dma_wait3A_24] : memref<32x80x128xi32, #tpu.memory_space<hbm>> -> memref<1x80x128xi32, #tpu.memory_space<hbm>>
      %dma_wait3A_26 = tpu.memref_squeeze %dma_wait3A_25 : memref<1x80x128xi32, #tpu.memory_space<hbm>> -> memref<80x128xi32, #tpu.memory_space<hbm>>
      tpu.wait_dma2 semaphore(%run_scoped3A : memref<!tpu.dma_semaphore, #tpu.memory_space<semaphore_mem>>) src(%dma_wait3A_26 : memref<80x128xi32, #tpu.memory_space<hbm>>) dst(%arg7 : memref<80x128xi32, #tpu.memory_space<vmem>>)
      tpu.yield
    }) : () -> ()
    "tpu.region"() ({
      %run_scoped3A = tpu.sem_alloc : memref<!tpu.dma_semaphore, #tpu.memory_space<semaphore_mem>>
      %dma_start3A = arith.constant 0 : i32
      %dma_start3A_13 = arith.constant 0 : i32
      %dma_start3A_14 = tpu.memref_slice %arg4[%add3A, %dma_start3A, %dma_start3A_13] : memref<32x80x128xi32, #tpu.memory_space<hbm>> -> memref<1x80x128xi32, #tpu.memory_space<hbm>>
      %dma_start3A_15 = tpu.memref_squeeze %dma_start3A_14 : memref<1x80x128xi32, #tpu.memory_space<hbm>> -> memref<80x128xi32, #tpu.memory_space<hbm>>
      %dma_start3A_16 = arith.constant 0 : i32
      %dma_start3A_17 = arith.constant 0 : i32
      %dma_start3A_18 = tpu.memref_slice %arg4[%add3A, %dma_start3A_16, %dma_start3A_17] : memref<32x80x128xi32, #tpu.memory_space<hbm>> -> memref<1x80x128xi32, #tpu.memory_space<hbm>>
      %dma_start3A_19 = tpu.memref_squeeze %dma_start3A_18 : memref<1x80x128xi32, #tpu.memory_space<hbm>> -> memref<80x128xi32, #tpu.memory_space<hbm>>
      tpu.enqueue_dma source(%dma_start3A_19 : memref<80x128xi32, #tpu.memory_space<hbm>>) target(%arg8 : memref<80x128xi32, #tpu.memory_space<vmem>>) target_semaphore(%run_scoped3A : memref<!tpu.dma_semaphore, #tpu.memory_space<semaphore_mem>>)
      %dma_wait3A = arith.constant 0 : i32
      %dma_wait3A_20 = arith.constant 0 : i32
      %dma_wait3A_21 = tpu.memref_slice %arg4[%add3A, %dma_wait3A, %dma_wait3A_20] : memref<32x80x128xi32, #tpu.memory_space<hbm>> -> memref<1x80x128xi32, #tpu.memory_space<hbm>>
      %dma_wait3A_22 = tpu.memref_squeeze %dma_wait3A_21 : memref<1x80x128xi32, #tpu.memory_space<hbm>> -> memref<80x128xi32, #tpu.memory_space<hbm>>
      %dma_wait3A_23 = arith.constant 0 : i32
      %dma_wait3A_24 = arith.constant 0 : i32
      %dma_wait3A_25 = tpu.memref_slice %arg4[%add3A, %dma_wait3A_23, %dma_wait3A_24] : memref<32x80x128xi32, #tpu.memory_space<hbm>> -> memref<1x80x128xi32, #tpu.memory_space<hbm>>
      %dma_wait3A_26 = tpu.memref_squeeze %dma_wait3A_25 : memref<1x80x128xi32, #tpu.memory_space<hbm>> -> memref<80x128xi32, #tpu.memory_space<hbm>>
      tpu.wait_dma2 semaphore(%run_scoped3A : memref<!tpu.dma_semaphore, #tpu.memory_space<semaphore_mem>>) src(%dma_wait3A_26 : memref<80x128xi32, #tpu.memory_space<hbm>>) dst(%arg8 : memref<80x128xi32, #tpu.memory_space<vmem>>)
      tpu.yield
    }) : () -> ()
    %mul3A_1 = arith.constant 640 : i32
    %mul3A_2 = arith.muli %arg1, %mul3A_1 : i32
    "tpu.region"() ({
      %run_scoped3A = tpu.sem_alloc : memref<!tpu.dma_semaphore, #tpu.memory_space<semaphore_mem>>
      %dma_start3A = arith.constant 0 : i32
      %dma_start3A_13 = tpu.memref_slice %arg10[%mul3A_2, %dma_start3A] : memref<10240x128xf32, #tpu.memory_space<vmem_shared>> -> memref<640x128xf32, #tpu.memory_space<vmem_shared>>
      tpu.enqueue_dma source(%arg5 : memref<640x128xf32, #tpu.memory_space<hbm>>) target(%dma_start3A_13 : memref<640x128xf32, #tpu.memory_space<vmem_shared>>) target_semaphore(%run_scoped3A : memref<!tpu.dma_semaphore, #tpu.memory_space<semaphore_mem>>)
      %dma_wait3A = arith.constant 0 : i32
      %dma_wait3A_14 = tpu.memref_slice %arg10[%mul3A_2, %dma_wait3A] : memref<10240x128xf32, #tpu.memory_space<vmem_shared>> -> memref<640x128xf32, #tpu.memory_space<vmem_shared>>
      tpu.wait_dma2 semaphore(%run_scoped3A : memref<!tpu.dma_semaphore, #tpu.memory_space<semaphore_mem>>) src(%arg5 : memref<640x128xf32, #tpu.memory_space<hbm>>) dst(%dma_wait3A_14 : memref<640x128xf32, #tpu.memory_space<vmem_shared>>)
      tpu.yield
    }) : () -> ()
    %barrier3A = arith.constant 0 : index
    tpu.barrier barrier_id(%barrier3A)
    %scan3A = arith.constant 0 : i32
    %scan3A_3 = arith.constant 0 : i32
    %scan3A_4 = arith.constant 80 : i32
    %scan3A_5 = arith.addi %scan3A_3, %scan3A_4 : i32
    %scan3A_6 = arith.constant 1 : i32
    scf.for %scan3A_13 = %scan3A_3 to %scan3A_5 step %scan3A_6  : i32 {
      "tpu.region"() ({
        %run_scoped3A = tpu.sem_alloc : memref<!tpu.dma_semaphore, #tpu.memory_space<semaphore_mem>>
        %dma_start3A = arith.constant 0 : i32
        %dma_start3A_14 = tpu.memref_slice %arg7[%scan3A_13, %dma_start3A] : memref<80x128xi32, #tpu.memory_space<vmem>> -> memref<1x128xi32, #tpu.memory_space<vmem>>
        %dma_start3A_15 = tpu.memref_squeeze %dma_start3A_14 : memref<1x128xi32, #tpu.memory_space<vmem>> -> memref<128xi32, #tpu.memory_space<vmem>>
        %dma_start3A_16 = arith.constant 0 : i32
        %dma_start3A_17 = arith.constant 0 : i32
        %dma_start3A_18 = tpu.memref_slice %arg2[%dma_start3A_16, %dma_start3A_17] : memref<10000x128xf32, #tpu.memory_space<hbm>> -> memref<10000x128xf32, #tpu.memory_space<hbm>>
        tpu.enqueue_indirect_dma source(%dma_start3A_18 : memref<10000x128xf32, #tpu.memory_space<hbm>>) target(%arg9 : memref<128x128xf32, #tpu.memory_space<vmem>>) offsets(%dma_start3A_15 : memref<128xi32, #tpu.memory_space<vmem>>) semaphore(%run_scoped3A : memref<!tpu.dma_semaphore, #tpu.memory_space<semaphore_mem>>)
        %dma_wait3A = arith.constant 0 : i32
        %dma_wait3A_19 = tpu.memref_slice %arg7[%scan3A_13, %dma_wait3A] : memref<80x128xi32, #tpu.memory_space<vmem>> -> memref<1x128xi32, #tpu.memory_space<vmem>>
        %dma_wait3A_20 = tpu.memref_squeeze %dma_wait3A_19 : memref<1x128xi32, #tpu.memory_space<vmem>> -> memref<128xi32, #tpu.memory_space<vmem>>
        %dma_wait3A_21 = arith.constant 0 : i32
        %dma_wait3A_22 = arith.constant 0 : i32
        %dma_wait3A_23 = tpu.memref_slice %arg2[%dma_wait3A_21, %dma_wait3A_22] : memref<10000x128xf32, #tpu.memory_space<hbm>> -> memref<10000x128xf32, #tpu.memory_space<hbm>>
        tpu.wait_indirect_dma semaphore(%run_scoped3A : memref<!tpu.dma_semaphore, #tpu.memory_space<semaphore_mem>>) src(%dma_wait3A_23 : memref<10000x128xf32, #tpu.memory_space<hbm>>) dst(%arg9 : memref<128x128xf32, #tpu.memory_space<vmem>>)
        tpu.yield
      }) : () -> ()
      "tpu.region"() ({
        %run_scoped3A = tpu.sem_alloc : memref<!tpu.dma_semaphore, #tpu.memory_space<semaphore_mem>>
        %dma_start3A = arith.constant 0 : i32
        %dma_start3A_14 = tpu.memref_slice %arg8[%scan3A_13, %dma_start3A] : memref<80x128xi32, #tpu.memory_space<vmem>> -> memref<1x128xi32, #tpu.memory_space<vmem>>
        %dma_start3A_15 = tpu.memref_squeeze %dma_start3A_14 : memref<1x128xi32, #tpu.memory_space<vmem>> -> memref<128xi32, #tpu.memory_space<vmem>>
        %dma_start3A_16 = arith.constant 0 : i32
        %dma_start3A_17 = arith.constant 0 : i32
        %dma_start3A_18 = tpu.memref_slice %arg10[%dma_start3A_16, %dma_start3A_17] : memref<10240x128xf32, #tpu.memory_space<vmem_shared>> -> memref<10240x128xf32, #tpu.memory_space<vmem_shared>>
        tpu.enqueue_indirect_dma source(%arg9 : memref<128x128xf32, #tpu.memory_space<vmem>>) target(%dma_start3A_18 : memref<10240x128xf32, #tpu.memory_space<vmem_shared>>) offsets(%dma_start3A_15 : memref<128xi32, #tpu.memory_space<vmem>>) semaphore(%run_scoped3A : memref<!tpu.dma_semaphore, #tpu.memory_space<semaphore_mem>>) {add = true}
        %dma_wait3A = arith.constant 0 : i32
        %dma_wait3A_19 = tpu.memref_slice %arg8[%scan3A_13, %dma_wait3A] : memref<80x128xi32, #tpu.memory_space<vmem>> -> memref<1x128xi32, #tpu.memory_space<vmem>>
        %dma_wait3A_20 = tpu.memref_squeeze %dma_wait3A_19 : memref<1x128xi32, #tpu.memory_space<vmem>> -> memref<128xi32, #tpu.memory_space<vmem>>
        %dma_wait3A_21 = arith.constant 0 : i32
        %dma_wait3A_22 = arith.constant 0 : i32
        %dma_wait3A_23 = tpu.memref_slice %arg10[%dma_wait3A_21, %dma_wait3A_22] : memref<10240x128xf32, #tpu.memory_space<vmem_shared>> -> memref<10240x128xf32, #tpu.memory_space<vmem_shared>>
        tpu.wait_indirect_dma semaphore(%run_scoped3A : memref<!tpu.dma_semaphore, #tpu.memory_space<semaphore_mem>>) src(%arg9 : memref<128x128xf32, #tpu.memory_space<vmem>>) dst(%dma_wait3A_23 : memref<10240x128xf32, #tpu.memory_space<vmem_shared>>)
        tpu.yield
      }) : () -> ()
    }
    %scan3A_7 = arith.constant 80 : i32
    %barrier3A_8 = arith.constant 0 : index
    tpu.barrier barrier_id(%barrier3A_8)
    %mul3A_9 = arith.constant 640 : i32
    %mul3A_10 = arith.muli %arg1, %mul3A_9 : i32
    %mul3A_11 = arith.constant 640 : i32
    %mul3A_12 = arith.muli %arg1, %mul3A_11 : i32
    "tpu.region"() ({
      %run_scoped3A = tpu.sem_alloc : memref<!tpu.dma_semaphore, #tpu.memory_space<semaphore_mem>>
      %dma_start3A = arith.constant 0 : i32
      %dma_start3A_13 = tpu.memref_slice %arg6[%arg0, %mul3A_12, %dma_start3A] : memref<2x10240x128xf32, #tpu.memory_space<hbm>> -> memref<1x640x128xf32, #tpu.memory_space<hbm>>
      %dma_start3A_14 = tpu.memref_squeeze %dma_start3A_13 : memref<1x640x128xf32, #tpu.memory_space<hbm>> -> memref<640x128xf32, #tpu.memory_space<hbm>>
      %dma_start3A_15 = arith.constant 0 : i32
      %dma_start3A_16 = tpu.memref_slice %arg10[%mul3A_10, %dma_start3A_15] : memref<10240x128xf32, #tpu.memory_space<vmem_shared>> -> memref<640x128xf32, #tpu.memory_space<vmem_shared>>
      tpu.enqueue_dma source(%dma_start3A_16 : memref<640x128xf32, #tpu.memory_space<vmem_shared>>) target(%dma_start3A_14 : memref<640x128xf32, #tpu.memory_space<hbm>>) target_semaphore(%run_scoped3A : memref<!tpu.dma_semaphore, #tpu.memory_space<semaphore_mem>>)
      %dma_wait3A = arith.constant 0 : i32
      %dma_wait3A_17 = tpu.memref_slice %arg6[%arg0, %mul3A_12, %dma_wait3A] : memref<2x10240x128xf32, #tpu.memory_space<hbm>> -> memref<1x640x128xf32, #tpu.memory_space<hbm>>
      %dma_wait3A_18 = tpu.memref_squeeze %dma_wait3A_17 : memref<1x640x128xf32, #tpu.memory_space<hbm>> -> memref<640x128xf32, #tpu.memory_space<hbm>>
      %dma_wait3A_19 = arith.constant 0 : i32
      %dma_wait3A_20 = tpu.memref_slice %arg10[%mul3A_10, %dma_wait3A_19] : memref<10240x128xf32, #tpu.memory_space<vmem_shared>> -> memref<640x128xf32, #tpu.memory_space<vmem_shared>>
      tpu.wait_dma2 semaphore(%run_scoped3A : memref<!tpu.dma_semaphore, #tpu.memory_space<semaphore_mem>>) src(%dma_wait3A_20 : memref<640x128xf32, #tpu.memory_space<vmem_shared>>) dst(%dma_wait3A_18 : memref<640x128xf32, #tpu.memory_space<hbm>>)
      tpu.yield
    }) : () -> ()
    return
  }
}

#map = affine_map<(d0, d1) -> (0, 0, 0)>
#map1 = affine_map<(d0, d1) -> (0, 0)>
module attributes {stable_mosaic.version = 14 : i64} {
  func.func @_deg_body(%arg0: i32, %arg1: i32, %arg2: memref<32x80x128xi32, #tpu.memory_space<hbm>>, %arg3: memref<128x128xf32, #tpu.memory_space<hbm>>, %arg4: memref<640x128xf32, #tpu.memory_space<hbm>>, %arg5: memref<2x10240x128xf32, #tpu.memory_space<hbm>>, %arg6: memref<80x128xi32, #tpu.memory_space<vmem>>, %arg7: memref<128x128xf32, #tpu.memory_space<vmem>>, %arg8: memref<10240x128xf32, #tpu.memory_space<vmem_shared>>, %arg9: memref<!tpu.dma_semaphore, #tpu.memory_space<semaphore_mem>>) attributes {dimension_semantics = [#tpu.dimension_semantics<core_parallel>, #tpu.dimension_semantics<subcore_parallel>], iteration_bounds = array<i64: 2, 16>, scalar_prefetch = 0 : i64, scratch_operands = 4 : i64, tpu.core_type = #tpu.core_type<sc_vector_subcore>, window_params = [{transform_indices = #map}, {transform_indices = #map1}, {transform_indices = #map1}, {transform_indices = #map}]} {
    %mul3A = arith.constant 16 : i32
    %mul3A_0 = arith.muli %arg0, %mul3A : i32
    %add3A = arith.addi %mul3A_0, %arg1 : i32
    "tpu.region"() ({
      %run_scoped3A = tpu.sem_alloc : memref<!tpu.dma_semaphore, #tpu.memory_space<semaphore_mem>>
      %dma_start3A = arith.constant 0 : i32
      %dma_start3A_13 = arith.constant 0 : i32
      %dma_start3A_14 = tpu.memref_slice %arg2[%add3A, %dma_start3A, %dma_start3A_13] : memref<32x80x128xi32, #tpu.memory_space<hbm>> -> memref<1x80x128xi32, #tpu.memory_space<hbm>>
      %dma_start3A_15 = tpu.memref_squeeze %dma_start3A_14 : memref<1x80x128xi32, #tpu.memory_space<hbm>> -> memref<80x128xi32, #tpu.memory_space<hbm>>
      %dma_start3A_16 = arith.constant 0 : i32
      %dma_start3A_17 = arith.constant 0 : i32
      %dma_start3A_18 = tpu.memref_slice %arg2[%add3A, %dma_start3A_16, %dma_start3A_17] : memref<32x80x128xi32, #tpu.memory_space<hbm>> -> memref<1x80x128xi32, #tpu.memory_space<hbm>>
      %dma_start3A_19 = tpu.memref_squeeze %dma_start3A_18 : memref<1x80x128xi32, #tpu.memory_space<hbm>> -> memref<80x128xi32, #tpu.memory_space<hbm>>
      tpu.enqueue_dma source(%dma_start3A_19 : memref<80x128xi32, #tpu.memory_space<hbm>>) target(%arg6 : memref<80x128xi32, #tpu.memory_space<vmem>>) target_semaphore(%run_scoped3A : memref<!tpu.dma_semaphore, #tpu.memory_space<semaphore_mem>>)
      %dma_wait3A = arith.constant 0 : i32
      %dma_wait3A_20 = arith.constant 0 : i32
      %dma_wait3A_21 = tpu.memref_slice %arg2[%add3A, %dma_wait3A, %dma_wait3A_20] : memref<32x80x128xi32, #tpu.memory_space<hbm>> -> memref<1x80x128xi32, #tpu.memory_space<hbm>>
      %dma_wait3A_22 = tpu.memref_squeeze %dma_wait3A_21 : memref<1x80x128xi32, #tpu.memory_space<hbm>> -> memref<80x128xi32, #tpu.memory_space<hbm>>
      %dma_wait3A_23 = arith.constant 0 : i32
      %dma_wait3A_24 = arith.constant 0 : i32
      %dma_wait3A_25 = tpu.memref_slice %arg2[%add3A, %dma_wait3A_23, %dma_wait3A_24] : memref<32x80x128xi32, #tpu.memory_space<hbm>> -> memref<1x80x128xi32, #tpu.memory_space<hbm>>
      %dma_wait3A_26 = tpu.memref_squeeze %dma_wait3A_25 : memref<1x80x128xi32, #tpu.memory_space<hbm>> -> memref<80x128xi32, #tpu.memory_space<hbm>>
      tpu.wait_dma2 semaphore(%run_scoped3A : memref<!tpu.dma_semaphore, #tpu.memory_space<semaphore_mem>>) src(%dma_wait3A_26 : memref<80x128xi32, #tpu.memory_space<hbm>>) dst(%arg6 : memref<80x128xi32, #tpu.memory_space<vmem>>)
      tpu.yield
    }) : () -> ()
    "tpu.region"() ({
      %run_scoped3A = tpu.sem_alloc : memref<!tpu.dma_semaphore, #tpu.memory_space<semaphore_mem>>
      tpu.enqueue_dma source(%arg3 : memref<128x128xf32, #tpu.memory_space<hbm>>) target(%arg7 : memref<128x128xf32, #tpu.memory_space<vmem>>) target_semaphore(%run_scoped3A : memref<!tpu.dma_semaphore, #tpu.memory_space<semaphore_mem>>)
      tpu.wait_dma2 semaphore(%run_scoped3A : memref<!tpu.dma_semaphore, #tpu.memory_space<semaphore_mem>>) src(%arg3 : memref<128x128xf32, #tpu.memory_space<hbm>>) dst(%arg7 : memref<128x128xf32, #tpu.memory_space<vmem>>)
      tpu.yield
    }) : () -> ()
    %mul3A_1 = arith.constant 640 : i32
    %mul3A_2 = arith.muli %arg1, %mul3A_1 : i32
    "tpu.region"() ({
      %run_scoped3A = tpu.sem_alloc : memref<!tpu.dma_semaphore, #tpu.memory_space<semaphore_mem>>
      %dma_start3A = arith.constant 0 : i32
      %dma_start3A_13 = tpu.memref_slice %arg8[%mul3A_2, %dma_start3A] : memref<10240x128xf32, #tpu.memory_space<vmem_shared>> -> memref<640x128xf32, #tpu.memory_space<vmem_shared>>
      tpu.enqueue_dma source(%arg4 : memref<640x128xf32, #tpu.memory_space<hbm>>) target(%dma_start3A_13 : memref<640x128xf32, #tpu.memory_space<vmem_shared>>) target_semaphore(%run_scoped3A : memref<!tpu.dma_semaphore, #tpu.memory_space<semaphore_mem>>)
      %dma_wait3A = arith.constant 0 : i32
      %dma_wait3A_14 = tpu.memref_slice %arg8[%mul3A_2, %dma_wait3A] : memref<10240x128xf32, #tpu.memory_space<vmem_shared>> -> memref<640x128xf32, #tpu.memory_space<vmem_shared>>
      tpu.wait_dma2 semaphore(%run_scoped3A : memref<!tpu.dma_semaphore, #tpu.memory_space<semaphore_mem>>) src(%arg4 : memref<640x128xf32, #tpu.memory_space<hbm>>) dst(%dma_wait3A_14 : memref<640x128xf32, #tpu.memory_space<vmem_shared>>)
      tpu.yield
    }) : () -> ()
    %barrier3A = arith.constant 0 : index
    tpu.barrier barrier_id(%barrier3A)
    %scan3A = arith.constant 0 : i32
    %scan3A_3 = arith.constant 0 : i32
    %scan3A_4 = arith.constant 80 : i32
    %scan3A_5 = arith.addi %scan3A_3, %scan3A_4 : i32
    %scan3A_6 = arith.constant 1 : i32
    scf.for %scan3A_13 = %scan3A_3 to %scan3A_5 step %scan3A_6  : i32 {
      "tpu.region"() ({
        %run_scoped3A = tpu.sem_alloc : memref<!tpu.dma_semaphore, #tpu.memory_space<semaphore_mem>>
        %dma_start3A = arith.constant 0 : i32
        %dma_start3A_14 = tpu.memref_slice %arg6[%scan3A_13, %dma_start3A] : memref<80x128xi32, #tpu.memory_space<vmem>> -> memref<1x128xi32, #tpu.memory_space<vmem>>
        %dma_start3A_15 = tpu.memref_squeeze %dma_start3A_14 : memref<1x128xi32, #tpu.memory_space<vmem>> -> memref<128xi32, #tpu.memory_space<vmem>>
        %dma_start3A_16 = arith.constant 0 : i32
        %dma_start3A_17 = arith.constant 0 : i32
        %dma_start3A_18 = tpu.memref_slice %arg8[%dma_start3A_16, %dma_start3A_17] : memref<10240x128xf32, #tpu.memory_space<vmem_shared>> -> memref<10240x128xf32, #tpu.memory_space<vmem_shared>>
        tpu.enqueue_indirect_dma source(%arg7 : memref<128x128xf32, #tpu.memory_space<vmem>>) target(%dma_start3A_18 : memref<10240x128xf32, #tpu.memory_space<vmem_shared>>) offsets(%dma_start3A_15 : memref<128xi32, #tpu.memory_space<vmem>>) semaphore(%run_scoped3A : memref<!tpu.dma_semaphore, #tpu.memory_space<semaphore_mem>>) {add = true}
        %dma_wait3A = arith.constant 0 : i32
        %dma_wait3A_19 = tpu.memref_slice %arg6[%scan3A_13, %dma_wait3A] : memref<80x128xi32, #tpu.memory_space<vmem>> -> memref<1x128xi32, #tpu.memory_space<vmem>>
        %dma_wait3A_20 = tpu.memref_squeeze %dma_wait3A_19 : memref<1x128xi32, #tpu.memory_space<vmem>> -> memref<128xi32, #tpu.memory_space<vmem>>
        %dma_wait3A_21 = arith.constant 0 : i32
        %dma_wait3A_22 = arith.constant 0 : i32
        %dma_wait3A_23 = tpu.memref_slice %arg8[%dma_wait3A_21, %dma_wait3A_22] : memref<10240x128xf32, #tpu.memory_space<vmem_shared>> -> memref<10240x128xf32, #tpu.memory_space<vmem_shared>>
        tpu.wait_indirect_dma semaphore(%run_scoped3A : memref<!tpu.dma_semaphore, #tpu.memory_space<semaphore_mem>>) src(%arg7 : memref<128x128xf32, #tpu.memory_space<vmem>>) dst(%dma_wait3A_23 : memref<10240x128xf32, #tpu.memory_space<vmem_shared>>)
        tpu.yield
      }) : () -> ()
    }
    %scan3A_7 = arith.constant 80 : i32
    %barrier3A_8 = arith.constant 0 : index
    tpu.barrier barrier_id(%barrier3A_8)
    %mul3A_9 = arith.constant 640 : i32
    %mul3A_10 = arith.muli %arg1, %mul3A_9 : i32
    %mul3A_11 = arith.constant 640 : i32
    %mul3A_12 = arith.muli %arg1, %mul3A_11 : i32
    "tpu.region"() ({
      %run_scoped3A = tpu.sem_alloc : memref<!tpu.dma_semaphore, #tpu.memory_space<semaphore_mem>>
      %dma_start3A = arith.constant 0 : i32
      %dma_start3A_13 = tpu.memref_slice %arg5[%arg0, %mul3A_12, %dma_start3A] : memref<2x10240x128xf32, #tpu.memory_space<hbm>> -> memref<1x640x128xf32, #tpu.memory_space<hbm>>
      %dma_start3A_14 = tpu.memref_squeeze %dma_start3A_13 : memref<1x640x128xf32, #tpu.memory_space<hbm>> -> memref<640x128xf32, #tpu.memory_space<hbm>>
      %dma_start3A_15 = arith.constant 0 : i32
      %dma_start3A_16 = tpu.memref_slice %arg8[%mul3A_10, %dma_start3A_15] : memref<10240x128xf32, #tpu.memory_space<vmem_shared>> -> memref<640x128xf32, #tpu.memory_space<vmem_shared>>
      tpu.enqueue_dma source(%dma_start3A_16 : memref<640x128xf32, #tpu.memory_space<vmem_shared>>) target(%dma_start3A_14 : memref<640x128xf32, #tpu.memory_space<hbm>>) target_semaphore(%run_scoped3A : memref<!tpu.dma_semaphore, #tpu.memory_space<semaphore_mem>>)
      %dma_wait3A = arith.constant 0 : i32
      %dma_wait3A_17 = tpu.memref_slice %arg5[%arg0, %mul3A_12, %dma_wait3A] : memref<2x10240x128xf32, #tpu.memory_space<hbm>> -> memref<1x640x128xf32, #tpu.memory_space<hbm>>
      %dma_wait3A_18 = tpu.memref_squeeze %dma_wait3A_17 : memref<1x640x128xf32, #tpu.memory_space<hbm>> -> memref<640x128xf32, #tpu.memory_space<hbm>>
      %dma_wait3A_19 = arith.constant 0 : i32
      %dma_wait3A_20 = tpu.memref_slice %arg8[%mul3A_10, %dma_wait3A_19] : memref<10240x128xf32, #tpu.memory_space<vmem_shared>> -> memref<640x128xf32, #tpu.memory_space<vmem_shared>>
      tpu.wait_dma2 semaphore(%run_scoped3A : memref<!tpu.dma_semaphore, #tpu.memory_space<semaphore_mem>>) src(%dma_wait3A_20 : memref<640x128xf32, #tpu.memory_space<vmem_shared>>) dst(%dma_wait3A_18 : memref<640x128xf32, #tpu.memory_space<hbm>>)
      tpu.yield
    }) : () -> ()
    return
  }
}

#map = affine_map<(d0, d1) -> (0, 0)>
#map1 = affine_map<(d0, d1) -> (0, 0, 0)>
module attributes {stable_mosaic.version = 14 : i64} {
  func.func @_prop_body(%arg0: i32, %arg1: i32, %arg2: memref<10000x128xf32, #tpu.memory_space<hbm>>, %arg3: memref<32x80x128xi32, #tpu.memory_space<hbm>>, %arg4: memref<32x80x128xi32, #tpu.memory_space<hbm>>, %arg5: memref<640x128xf32, #tpu.memory_space<hbm>>, %arg6: memref<2x10240x128xf32, #tpu.memory_space<hbm>>, %arg7: memref<80x128xi32, #tpu.memory_space<vmem>>, %arg8: memref<80x128xi32, #tpu.memory_space<vmem>>, %arg9: memref<128x128xf32, #tpu.memory_space<vmem>>, %arg10: memref<10240x128xf32, #tpu.memory_space<vmem_shared>>, %arg11: memref<!tpu.dma_semaphore, #tpu.memory_space<semaphore_mem>>) attributes {dimension_semantics = [#tpu.dimension_semantics<core_parallel>, #tpu.dimension_semantics<subcore_parallel>], iteration_bounds = array<i64: 2, 16>, scalar_prefetch = 0 : i64, scratch_operands = 5 : i64, tpu.core_type = #tpu.core_type<sc_vector_subcore>, window_params = [{transform_indices = #map}, {transform_indices = #map1}, {transform_indices = #map1}, {transform_indices = #map}, {transform_indices = #map1}]} {
    %mul3A = arith.constant 16 : i32
    %mul3A_0 = arith.muli %arg0, %mul3A : i32
    %add3A = arith.addi %mul3A_0, %arg1 : i32
    "tpu.region"() ({
      %run_scoped3A = tpu.sem_alloc : memref<!tpu.dma_semaphore, #tpu.memory_space<semaphore_mem>>
      %dma_start3A = arith.constant 0 : i32
      %dma_start3A_13 = arith.constant 0 : i32
      %dma_start3A_14 = tpu.memref_slice %arg3[%add3A, %dma_start3A, %dma_start3A_13] : memref<32x80x128xi32, #tpu.memory_space<hbm>> -> memref<1x80x128xi32, #tpu.memory_space<hbm>>
      %dma_start3A_15 = tpu.memref_squeeze %dma_start3A_14 : memref<1x80x128xi32, #tpu.memory_space<hbm>> -> memref<80x128xi32, #tpu.memory_space<hbm>>
      %dma_start3A_16 = arith.constant 0 : i32
      %dma_start3A_17 = arith.constant 0 : i32
      %dma_start3A_18 = tpu.memref_slice %arg3[%add3A, %dma_start3A_16, %dma_start3A_17] : memref<32x80x128xi32, #tpu.memory_space<hbm>> -> memref<1x80x128xi32, #tpu.memory_space<hbm>>
      %dma_start3A_19 = tpu.memref_squeeze %dma_start3A_18 : memref<1x80x128xi32, #tpu.memory_space<hbm>> -> memref<80x128xi32, #tpu.memory_space<hbm>>
      tpu.enqueue_dma source(%dma_start3A_19 : memref<80x128xi32, #tpu.memory_space<hbm>>) target(%arg7 : memref<80x128xi32, #tpu.memory_space<vmem>>) target_semaphore(%run_scoped3A : memref<!tpu.dma_semaphore, #tpu.memory_space<semaphore_mem>>)
      %dma_wait3A = arith.constant 0 : i32
      %dma_wait3A_20 = arith.constant 0 : i32
      %dma_wait3A_21 = tpu.memref_slice %arg3[%add3A, %dma_wait3A, %dma_wait3A_20] : memref<32x80x128xi32, #tpu.memory_space<hbm>> -> memref<1x80x128xi32, #tpu.memory_space<hbm>>
      %dma_wait3A_22 = tpu.memref_squeeze %dma_wait3A_21 : memref<1x80x128xi32, #tpu.memory_space<hbm>> -> memref<80x128xi32, #tpu.memory_space<hbm>>
      %dma_wait3A_23 = arith.constant 0 : i32
      %dma_wait3A_24 = arith.constant 0 : i32
      %dma_wait3A_25 = tpu.memref_slice %arg3[%add3A, %dma_wait3A_23, %dma_wait3A_24] : memref<32x80x128xi32, #tpu.memory_space<hbm>> -> memref<1x80x128xi32, #tpu.memory_space<hbm>>
      %dma_wait3A_26 = tpu.memref_squeeze %dma_wait3A_25 : memref<1x80x128xi32, #tpu.memory_space<hbm>> -> memref<80x128xi32, #tpu.memory_space<hbm>>
      tpu.wait_dma2 semaphore(%run_scoped3A : memref<!tpu.dma_semaphore, #tpu.memory_space<semaphore_mem>>) src(%dma_wait3A_26 : memref<80x128xi32, #tpu.memory_space<hbm>>) dst(%arg7 : memref<80x128xi32, #tpu.memory_space<vmem>>)
      tpu.yield
    }) : () -> ()
    "tpu.region"() ({
      %run_scoped3A = tpu.sem_alloc : memref<!tpu.dma_semaphore, #tpu.memory_space<semaphore_mem>>
      %dma_start3A = arith.constant 0 : i32
      %dma_start3A_13 = arith.constant 0 : i32
      %dma_start3A_14 = tpu.memref_slice %arg4[%add3A, %dma_start3A, %dma_start3A_13] : memref<32x80x128xi32, #tpu.memory_space<hbm>> -> memref<1x80x128xi32, #tpu.memory_space<hbm>>
      %dma_start3A_15 = tpu.memref_squeeze %dma_start3A_14 : memref<1x80x128xi32, #tpu.memory_space<hbm>> -> memref<80x128xi32, #tpu.memory_space<hbm>>
      %dma_start3A_16 = arith.constant 0 : i32
      %dma_start3A_17 = arith.constant 0 : i32
      %dma_start3A_18 = tpu.memref_slice %arg4[%add3A, %dma_start3A_16, %dma_start3A_17] : memref<32x80x128xi32, #tpu.memory_space<hbm>> -> memref<1x80x128xi32, #tpu.memory_space<hbm>>
      %dma_start3A_19 = tpu.memref_squeeze %dma_start3A_18 : memref<1x80x128xi32, #tpu.memory_space<hbm>> -> memref<80x128xi32, #tpu.memory_space<hbm>>
      tpu.enqueue_dma source(%dma_start3A_19 : memref<80x128xi32, #tpu.memory_space<hbm>>) target(%arg8 : memref<80x128xi32, #tpu.memory_space<vmem>>) target_semaphore(%run_scoped3A : memref<!tpu.dma_semaphore, #tpu.memory_space<semaphore_mem>>)
      %dma_wait3A = arith.constant 0 : i32
      %dma_wait3A_20 = arith.constant 0 : i32
      %dma_wait3A_21 = tpu.memref_slice %arg4[%add3A, %dma_wait3A, %dma_wait3A_20] : memref<32x80x128xi32, #tpu.memory_space<hbm>> -> memref<1x80x128xi32, #tpu.memory_space<hbm>>
      %dma_wait3A_22 = tpu.memref_squeeze %dma_wait3A_21 : memref<1x80x128xi32, #tpu.memory_space<hbm>> -> memref<80x128xi32, #tpu.memory_space<hbm>>
      %dma_wait3A_23 = arith.constant 0 : i32
      %dma_wait3A_24 = arith.constant 0 : i32
      %dma_wait3A_25 = tpu.memref_slice %arg4[%add3A, %dma_wait3A_23, %dma_wait3A_24] : memref<32x80x128xi32, #tpu.memory_space<hbm>> -> memref<1x80x128xi32, #tpu.memory_space<hbm>>
      %dma_wait3A_26 = tpu.memref_squeeze %dma_wait3A_25 : memref<1x80x128xi32, #tpu.memory_space<hbm>> -> memref<80x128xi32, #tpu.memory_space<hbm>>
      tpu.wait_dma2 semaphore(%run_scoped3A : memref<!tpu.dma_semaphore, #tpu.memory_space<semaphore_mem>>) src(%dma_wait3A_26 : memref<80x128xi32, #tpu.memory_space<hbm>>) dst(%arg8 : memref<80x128xi32, #tpu.memory_space<vmem>>)
      tpu.yield
    }) : () -> ()
    %mul3A_1 = arith.constant 640 : i32
    %mul3A_2 = arith.muli %arg1, %mul3A_1 : i32
    "tpu.region"() ({
      %run_scoped3A = tpu.sem_alloc : memref<!tpu.dma_semaphore, #tpu.memory_space<semaphore_mem>>
      %dma_start3A = arith.constant 0 : i32
      %dma_start3A_13 = tpu.memref_slice %arg10[%mul3A_2, %dma_start3A] : memref<10240x128xf32, #tpu.memory_space<vmem_shared>> -> memref<640x128xf32, #tpu.memory_space<vmem_shared>>
      tpu.enqueue_dma source(%arg5 : memref<640x128xf32, #tpu.memory_space<hbm>>) target(%dma_start3A_13 : memref<640x128xf32, #tpu.memory_space<vmem_shared>>) target_semaphore(%run_scoped3A : memref<!tpu.dma_semaphore, #tpu.memory_space<semaphore_mem>>)
      %dma_wait3A = arith.constant 0 : i32
      %dma_wait3A_14 = tpu.memref_slice %arg10[%mul3A_2, %dma_wait3A] : memref<10240x128xf32, #tpu.memory_space<vmem_shared>> -> memref<640x128xf32, #tpu.memory_space<vmem_shared>>
      tpu.wait_dma2 semaphore(%run_scoped3A : memref<!tpu.dma_semaphore, #tpu.memory_space<semaphore_mem>>) src(%arg5 : memref<640x128xf32, #tpu.memory_space<hbm>>) dst(%dma_wait3A_14 : memref<640x128xf32, #tpu.memory_space<vmem_shared>>)
      tpu.yield
    }) : () -> ()
    %barrier3A = arith.constant 0 : index
    tpu.barrier barrier_id(%barrier3A)
    %scan3A = arith.constant 0 : i32
    %scan3A_3 = arith.constant 0 : i32
    %scan3A_4 = arith.constant 80 : i32
    %scan3A_5 = arith.addi %scan3A_3, %scan3A_4 : i32
    %scan3A_6 = arith.constant 1 : i32
    scf.for %scan3A_13 = %scan3A_3 to %scan3A_5 step %scan3A_6  : i32 {
      "tpu.region"() ({
        %run_scoped3A = tpu.sem_alloc : memref<!tpu.dma_semaphore, #tpu.memory_space<semaphore_mem>>
        %dma_start3A = arith.constant 0 : i32
        %dma_start3A_14 = tpu.memref_slice %arg7[%scan3A_13, %dma_start3A] : memref<80x128xi32, #tpu.memory_space<vmem>> -> memref<1x128xi32, #tpu.memory_space<vmem>>
        %dma_start3A_15 = tpu.memref_squeeze %dma_start3A_14 : memref<1x128xi32, #tpu.memory_space<vmem>> -> memref<128xi32, #tpu.memory_space<vmem>>
        %dma_start3A_16 = arith.constant 0 : i32
        %dma_start3A_17 = arith.constant 0 : i32
        %dma_start3A_18 = tpu.memref_slice %arg2[%dma_start3A_16, %dma_start3A_17] : memref<10000x128xf32, #tpu.memory_space<hbm>> -> memref<10000x128xf32, #tpu.memory_space<hbm>>
        tpu.enqueue_indirect_dma source(%dma_start3A_18 : memref<10000x128xf32, #tpu.memory_space<hbm>>) target(%arg9 : memref<128x128xf32, #tpu.memory_space<vmem>>) offsets(%dma_start3A_15 : memref<128xi32, #tpu.memory_space<vmem>>) semaphore(%run_scoped3A : memref<!tpu.dma_semaphore, #tpu.memory_space<semaphore_mem>>)
        %dma_wait3A = arith.constant 0 : i32
        %dma_wait3A_19 = tpu.memref_slice %arg7[%scan3A_13, %dma_wait3A] : memref<80x128xi32, #tpu.memory_space<vmem>> -> memref<1x128xi32, #tpu.memory_space<vmem>>
        %dma_wait3A_20 = tpu.memref_squeeze %dma_wait3A_19 : memref<1x128xi32, #tpu.memory_space<vmem>> -> memref<128xi32, #tpu.memory_space<vmem>>
        %dma_wait3A_21 = arith.constant 0 : i32
        %dma_wait3A_22 = arith.constant 0 : i32
        %dma_wait3A_23 = tpu.memref_slice %arg2[%dma_wait3A_21, %dma_wait3A_22] : memref<10000x128xf32, #tpu.memory_space<hbm>> -> memref<10000x128xf32, #tpu.memory_space<hbm>>
        tpu.wait_indirect_dma semaphore(%run_scoped3A : memref<!tpu.dma_semaphore, #tpu.memory_space<semaphore_mem>>) src(%dma_wait3A_23 : memref<10000x128xf32, #tpu.memory_space<hbm>>) dst(%arg9 : memref<128x128xf32, #tpu.memory_space<vmem>>)
        tpu.yield
      }) : () -> ()
      "tpu.region"() ({
        %run_scoped3A = tpu.sem_alloc : memref<!tpu.dma_semaphore, #tpu.memory_space<semaphore_mem>>
        %dma_start3A = arith.constant 0 : i32
        %dma_start3A_14 = tpu.memref_slice %arg8[%scan3A_13, %dma_start3A] : memref<80x128xi32, #tpu.memory_space<vmem>> -> memref<1x128xi32, #tpu.memory_space<vmem>>
        %dma_start3A_15 = tpu.memref_squeeze %dma_start3A_14 : memref<1x128xi32, #tpu.memory_space<vmem>> -> memref<128xi32, #tpu.memory_space<vmem>>
        %dma_start3A_16 = arith.constant 0 : i32
        %dma_start3A_17 = arith.constant 0 : i32
        %dma_start3A_18 = tpu.memref_slice %arg10[%dma_start3A_16, %dma_start3A_17] : memref<10240x128xf32, #tpu.memory_space<vmem_shared>> -> memref<10240x128xf32, #tpu.memory_space<vmem_shared>>
        tpu.enqueue_indirect_dma source(%arg9 : memref<128x128xf32, #tpu.memory_space<vmem>>) target(%dma_start3A_18 : memref<10240x128xf32, #tpu.memory_space<vmem_shared>>) offsets(%dma_start3A_15 : memref<128xi32, #tpu.memory_space<vmem>>) semaphore(%run_scoped3A : memref<!tpu.dma_semaphore, #tpu.memory_space<semaphore_mem>>) {add = true}
        %dma_wait3A = arith.constant 0 : i32
        %dma_wait3A_19 = tpu.memref_slice %arg8[%scan3A_13, %dma_wait3A] : memref<80x128xi32, #tpu.memory_space<vmem>> -> memref<1x128xi32, #tpu.memory_space<vmem>>
        %dma_wait3A_20 = tpu.memref_squeeze %dma_wait3A_19 : memref<1x128xi32, #tpu.memory_space<vmem>> -> memref<128xi32, #tpu.memory_space<vmem>>
        %dma_wait3A_21 = arith.constant 0 : i32
        %dma_wait3A_22 = arith.constant 0 : i32
        %dma_wait3A_23 = tpu.memref_slice %arg10[%dma_wait3A_21, %dma_wait3A_22] : memref<10240x128xf32, #tpu.memory_space<vmem_shared>> -> memref<10240x128xf32, #tpu.memory_space<vmem_shared>>
        tpu.wait_indirect_dma semaphore(%run_scoped3A : memref<!tpu.dma_semaphore, #tpu.memory_space<semaphore_mem>>) src(%arg9 : memref<128x128xf32, #tpu.memory_space<vmem>>) dst(%dma_wait3A_23 : memref<10240x128xf32, #tpu.memory_space<vmem_shared>>)
        tpu.yield
      }) : () -> ()
    }
    %scan3A_7 = arith.constant 80 : i32
    %barrier3A_8 = arith.constant 0 : index
    tpu.barrier barrier_id(%barrier3A_8)
    %mul3A_9 = arith.constant 640 : i32
    %mul3A_10 = arith.muli %arg1, %mul3A_9 : i32
    %mul3A_11 = arith.constant 640 : i32
    %mul3A_12 = arith.muli %arg1, %mul3A_11 : i32
    "tpu.region"() ({
      %run_scoped3A = tpu.sem_alloc : memref<!tpu.dma_semaphore, #tpu.memory_space<semaphore_mem>>
      %dma_start3A = arith.constant 0 : i32
      %dma_start3A_13 = tpu.memref_slice %arg6[%arg0, %mul3A_12, %dma_start3A] : memref<2x10240x128xf32, #tpu.memory_space<hbm>> -> memref<1x640x128xf32, #tpu.memory_space<hbm>>
      %dma_start3A_14 = tpu.memref_squeeze %dma_start3A_13 : memref<1x640x128xf32, #tpu.memory_space<hbm>> -> memref<640x128xf32, #tpu.memory_space<hbm>>
      %dma_start3A_15 = arith.constant 0 : i32
      %dma_start3A_16 = tpu.memref_slice %arg10[%mul3A_10, %dma_start3A_15] : memref<10240x128xf32, #tpu.memory_space<vmem_shared>> -> memref<640x128xf32, #tpu.memory_space<vmem_shared>>
      tpu.enqueue_dma source(%dma_start3A_16 : memref<640x128xf32, #tpu.memory_space<vmem_shared>>) target(%dma_start3A_14 : memref<640x128xf32, #tpu.memory_space<hbm>>) target_semaphore(%run_scoped3A : memref<!tpu.dma_semaphore, #tpu.memory_space<semaphore_mem>>)
      %dma_wait3A = arith.constant 0 : i32
      %dma_wait3A_17 = tpu.memref_slice %arg6[%arg0, %mul3A_12, %dma_wait3A] : memref<2x10240x128xf32, #tpu.memory_space<hbm>> -> memref<1x640x128xf32, #tpu.memory_space<hbm>>
      %dma_wait3A_18 = tpu.memref_squeeze %dma_wait3A_17 : memref<1x640x128xf32, #tpu.memory_space<hbm>> -> memref<640x128xf32, #tpu.memory_space<hbm>>
      %dma_wait3A_19 = arith.constant 0 : i32
      %dma_wait3A_20 = tpu.memref_slice %arg10[%mul3A_10, %dma_wait3A_19] : memref<10240x128xf32, #tpu.memory_space<vmem_shared>> -> memref<640x128xf32, #tpu.memory_space<vmem_shared>>
      tpu.wait_dma2 semaphore(%run_scoped3A : memref<!tpu.dma_semaphore, #tpu.memory_space<semaphore_mem>>) src(%dma_wait3A_20 : memref<640x128xf32, #tpu.memory_space<vmem_shared>>) dst(%dma_wait3A_18 : memref<640x128xf32, #tpu.memory_space<hbm>>)
      tpu.yield
    }) : () -> ()
    return
  }
}

#map = affine_map<(d0, d1) -> (0, 0)>
#map1 = affine_map<(d0, d1) -> (0, 0, 0)>
module attributes {stable_mosaic.version = 14 : i64} {
  func.func @_prop_body(%arg0: i32, %arg1: i32, %arg2: memref<10000x128xf32, #tpu.memory_space<hbm>>, %arg3: memref<32x80x128xi32, #tpu.memory_space<hbm>>, %arg4: memref<32x80x128xi32, #tpu.memory_space<hbm>>, %arg5: memref<640x128xf32, #tpu.memory_space<hbm>>, %arg6: memref<2x10240x128xf32, #tpu.memory_space<hbm>>, %arg7: memref<80x128xi32, #tpu.memory_space<vmem>>, %arg8: memref<80x128xi32, #tpu.memory_space<vmem>>, %arg9: memref<128x128xf32, #tpu.memory_space<vmem>>, %arg10: memref<10240x128xf32, #tpu.memory_space<vmem_shared>>, %arg11: memref<!tpu.dma_semaphore, #tpu.memory_space<semaphore_mem>>) attributes {dimension_semantics = [#tpu.dimension_semantics<core_parallel>, #tpu.dimension_semantics<subcore_parallel>], iteration_bounds = array<i64: 2, 16>, scalar_prefetch = 0 : i64, scratch_operands = 5 : i64, tpu.core_type = #tpu.core_type<sc_vector_subcore>, window_params = [{transform_indices = #map}, {transform_indices = #map1}, {transform_indices = #map1}, {transform_indices = #map}, {transform_indices = #map1}]} {
    %mul3A = arith.constant 16 : i32
    %mul3A_0 = arith.muli %arg0, %mul3A : i32
    %add3A = arith.addi %mul3A_0, %arg1 : i32
    "tpu.region"() ({
      %run_scoped3A = tpu.sem_alloc : memref<!tpu.dma_semaphore, #tpu.memory_space<semaphore_mem>>
      %dma_start3A = arith.constant 0 : i32
      %dma_start3A_13 = arith.constant 0 : i32
      %dma_start3A_14 = tpu.memref_slice %arg3[%add3A, %dma_start3A, %dma_start3A_13] : memref<32x80x128xi32, #tpu.memory_space<hbm>> -> memref<1x80x128xi32, #tpu.memory_space<hbm>>
      %dma_start3A_15 = tpu.memref_squeeze %dma_start3A_14 : memref<1x80x128xi32, #tpu.memory_space<hbm>> -> memref<80x128xi32, #tpu.memory_space<hbm>>
      %dma_start3A_16 = arith.constant 0 : i32
      %dma_start3A_17 = arith.constant 0 : i32
      %dma_start3A_18 = tpu.memref_slice %arg3[%add3A, %dma_start3A_16, %dma_start3A_17] : memref<32x80x128xi32, #tpu.memory_space<hbm>> -> memref<1x80x128xi32, #tpu.memory_space<hbm>>
      %dma_start3A_19 = tpu.memref_squeeze %dma_start3A_18 : memref<1x80x128xi32, #tpu.memory_space<hbm>> -> memref<80x128xi32, #tpu.memory_space<hbm>>
      tpu.enqueue_dma source(%dma_start3A_19 : memref<80x128xi32, #tpu.memory_space<hbm>>) target(%arg7 : memref<80x128xi32, #tpu.memory_space<vmem>>) target_semaphore(%run_scoped3A : memref<!tpu.dma_semaphore, #tpu.memory_space<semaphore_mem>>)
      %dma_wait3A = arith.constant 0 : i32
      %dma_wait3A_20 = arith.constant 0 : i32
      %dma_wait3A_21 = tpu.memref_slice %arg3[%add3A, %dma_wait3A, %dma_wait3A_20] : memref<32x80x128xi32, #tpu.memory_space<hbm>> -> memref<1x80x128xi32, #tpu.memory_space<hbm>>
      %dma_wait3A_22 = tpu.memref_squeeze %dma_wait3A_21 : memref<1x80x128xi32, #tpu.memory_space<hbm>> -> memref<80x128xi32, #tpu.memory_space<hbm>>
      %dma_wait3A_23 = arith.constant 0 : i32
      %dma_wait3A_24 = arith.constant 0 : i32
      %dma_wait3A_25 = tpu.memref_slice %arg3[%add3A, %dma_wait3A_23, %dma_wait3A_24] : memref<32x80x128xi32, #tpu.memory_space<hbm>> -> memref<1x80x128xi32, #tpu.memory_space<hbm>>
      %dma_wait3A_26 = tpu.memref_squeeze %dma_wait3A_25 : memref<1x80x128xi32, #tpu.memory_space<hbm>> -> memref<80x128xi32, #tpu.memory_space<hbm>>
      tpu.wait_dma2 semaphore(%run_scoped3A : memref<!tpu.dma_semaphore, #tpu.memory_space<semaphore_mem>>) src(%dma_wait3A_26 : memref<80x128xi32, #tpu.memory_space<hbm>>) dst(%arg7 : memref<80x128xi32, #tpu.memory_space<vmem>>)
      tpu.yield
    }) : () -> ()
    "tpu.region"() ({
      %run_scoped3A = tpu.sem_alloc : memref<!tpu.dma_semaphore, #tpu.memory_space<semaphore_mem>>
      %dma_start3A = arith.constant 0 : i32
      %dma_start3A_13 = arith.constant 0 : i32
      %dma_start3A_14 = tpu.memref_slice %arg4[%add3A, %dma_start3A, %dma_start3A_13] : memref<32x80x128xi32, #tpu.memory_space<hbm>> -> memref<1x80x128xi32, #tpu.memory_space<hbm>>
      %dma_start3A_15 = tpu.memref_squeeze %dma_start3A_14 : memref<1x80x128xi32, #tpu.memory_space<hbm>> -> memref<80x128xi32, #tpu.memory_space<hbm>>
      %dma_start3A_16 = arith.constant 0 : i32
      %dma_start3A_17 = arith.constant 0 : i32
      %dma_start3A_18 = tpu.memref_slice %arg4[%add3A, %dma_start3A_16, %dma_start3A_17] : memref<32x80x128xi32, #tpu.memory_space<hbm>> -> memref<1x80x128xi32, #tpu.memory_space<hbm>>
      %dma_start3A_19 = tpu.memref_squeeze %dma_start3A_18 : memref<1x80x128xi32, #tpu.memory_space<hbm>> -> memref<80x128xi32, #tpu.memory_space<hbm>>
      tpu.enqueue_dma source(%dma_start3A_19 : memref<80x128xi32, #tpu.memory_space<hbm>>) target(%arg8 : memref<80x128xi32, #tpu.memory_space<vmem>>) target_semaphore(%run_scoped3A : memref<!tpu.dma_semaphore, #tpu.memory_space<semaphore_mem>>)
      %dma_wait3A = arith.constant 0 : i32
      %dma_wait3A_20 = arith.constant 0 : i32
      %dma_wait3A_21 = tpu.memref_slice %arg4[%add3A, %dma_wait3A, %dma_wait3A_20] : memref<32x80x128xi32, #tpu.memory_space<hbm>> -> memref<1x80x128xi32, #tpu.memory_space<hbm>>
      %dma_wait3A_22 = tpu.memref_squeeze %dma_wait3A_21 : memref<1x80x128xi32, #tpu.memory_space<hbm>> -> memref<80x128xi32, #tpu.memory_space<hbm>>
      %dma_wait3A_23 = arith.constant 0 : i32
      %dma_wait3A_24 = arith.constant 0 : i32
      %dma_wait3A_25 = tpu.memref_slice %arg4[%add3A, %dma_wait3A_23, %dma_wait3A_24] : memref<32x80x128xi32, #tpu.memory_space<hbm>> -> memref<1x80x128xi32, #tpu.memory_space<hbm>>
      %dma_wait3A_26 = tpu.memref_squeeze %dma_wait3A_25 : memref<1x80x128xi32, #tpu.memory_space<hbm>> -> memref<80x128xi32, #tpu.memory_space<hbm>>
      tpu.wait_dma2 semaphore(%run_scoped3A : memref<!tpu.dma_semaphore, #tpu.memory_space<semaphore_mem>>) src(%dma_wait3A_26 : memref<80x128xi32, #tpu.memory_space<hbm>>) dst(%arg8 : memref<80x128xi32, #tpu.memory_space<vmem>>)
      tpu.yield
    }) : () -> ()
    %mul3A_1 = arith.constant 640 : i32
    %mul3A_2 = arith.muli %arg1, %mul3A_1 : i32
    "tpu.region"() ({
      %run_scoped3A = tpu.sem_alloc : memref<!tpu.dma_semaphore, #tpu.memory_space<semaphore_mem>>
      %dma_start3A = arith.constant 0 : i32
      %dma_start3A_13 = tpu.memref_slice %arg10[%mul3A_2, %dma_start3A] : memref<10240x128xf32, #tpu.memory_space<vmem_shared>> -> memref<640x128xf32, #tpu.memory_space<vmem_shared>>
      tpu.enqueue_dma source(%arg5 : memref<640x128xf32, #tpu.memory_space<hbm>>) target(%dma_start3A_13 : memref<640x128xf32, #tpu.memory_space<vmem_shared>>) target_semaphore(%run_scoped3A : memref<!tpu.dma_semaphore, #tpu.memory_space<semaphore_mem>>)
      %dma_wait3A = arith.constant 0 : i32
      %dma_wait3A_14 = tpu.memref_slice %arg10[%mul3A_2, %dma_wait3A] : memref<10240x128xf32, #tpu.memory_space<vmem_shared>> -> memref<640x128xf32, #tpu.memory_space<vmem_shared>>
      tpu.wait_dma2 semaphore(%run_scoped3A : memref<!tpu.dma_semaphore, #tpu.memory_space<semaphore_mem>>) src(%arg5 : memref<640x128xf32, #tpu.memory_space<hbm>>) dst(%dma_wait3A_14 : memref<640x128xf32, #tpu.memory_space<vmem_shared>>)
      tpu.yield
    }) : () -> ()
    %barrier3A = arith.constant 0 : index
    tpu.barrier barrier_id(%barrier3A)
    %scan3A = arith.constant 0 : i32
    %scan3A_3 = arith.constant 0 : i32
    %scan3A_4 = arith.constant 80 : i32
    %scan3A_5 = arith.addi %scan3A_3, %scan3A_4 : i32
    %scan3A_6 = arith.constant 1 : i32
    scf.for %scan3A_13 = %scan3A_3 to %scan3A_5 step %scan3A_6  : i32 {
      "tpu.region"() ({
        %run_scoped3A = tpu.sem_alloc : memref<!tpu.dma_semaphore, #tpu.memory_space<semaphore_mem>>
        %dma_start3A = arith.constant 0 : i32
        %dma_start3A_14 = tpu.memref_slice %arg7[%scan3A_13, %dma_start3A] : memref<80x128xi32, #tpu.memory_space<vmem>> -> memref<1x128xi32, #tpu.memory_space<vmem>>
        %dma_start3A_15 = tpu.memref_squeeze %dma_start3A_14 : memref<1x128xi32, #tpu.memory_space<vmem>> -> memref<128xi32, #tpu.memory_space<vmem>>
        %dma_start3A_16 = arith.constant 0 : i32
        %dma_start3A_17 = arith.constant 0 : i32
        %dma_start3A_18 = tpu.memref_slice %arg2[%dma_start3A_16, %dma_start3A_17] : memref<10000x128xf32, #tpu.memory_space<hbm>> -> memref<10000x128xf32, #tpu.memory_space<hbm>>
        tpu.enqueue_indirect_dma source(%dma_start3A_18 : memref<10000x128xf32, #tpu.memory_space<hbm>>) target(%arg9 : memref<128x128xf32, #tpu.memory_space<vmem>>) offsets(%dma_start3A_15 : memref<128xi32, #tpu.memory_space<vmem>>) semaphore(%run_scoped3A : memref<!tpu.dma_semaphore, #tpu.memory_space<semaphore_mem>>)
        %dma_wait3A = arith.constant 0 : i32
        %dma_wait3A_19 = tpu.memref_slice %arg7[%scan3A_13, %dma_wait3A] : memref<80x128xi32, #tpu.memory_space<vmem>> -> memref<1x128xi32, #tpu.memory_space<vmem>>
        %dma_wait3A_20 = tpu.memref_squeeze %dma_wait3A_19 : memref<1x128xi32, #tpu.memory_space<vmem>> -> memref<128xi32, #tpu.memory_space<vmem>>
        %dma_wait3A_21 = arith.constant 0 : i32
        %dma_wait3A_22 = arith.constant 0 : i32
        %dma_wait3A_23 = tpu.memref_slice %arg2[%dma_wait3A_21, %dma_wait3A_22] : memref<10000x128xf32, #tpu.memory_space<hbm>> -> memref<10000x128xf32, #tpu.memory_space<hbm>>
        tpu.wait_indirect_dma semaphore(%run_scoped3A : memref<!tpu.dma_semaphore, #tpu.memory_space<semaphore_mem>>) src(%dma_wait3A_23 : memref<10000x128xf32, #tpu.memory_space<hbm>>) dst(%arg9 : memref<128x128xf32, #tpu.memory_space<vmem>>)
        tpu.yield
      }) : () -> ()
      "tpu.region"() ({
        %run_scoped3A = tpu.sem_alloc : memref<!tpu.dma_semaphore, #tpu.memory_space<semaphore_mem>>
        %dma_start3A = arith.constant 0 : i32
        %dma_start3A_14 = tpu.memref_slice %arg8[%scan3A_13, %dma_start3A] : memref<80x128xi32, #tpu.memory_space<vmem>> -> memref<1x128xi32, #tpu.memory_space<vmem>>
        %dma_start3A_15 = tpu.memref_squeeze %dma_start3A_14 : memref<1x128xi32, #tpu.memory_space<vmem>> -> memref<128xi32, #tpu.memory_space<vmem>>
        %dma_start3A_16 = arith.constant 0 : i32
        %dma_start3A_17 = arith.constant 0 : i32
        %dma_start3A_18 = tpu.memref_slice %arg10[%dma_start3A_16, %dma_start3A_17] : memref<10240x128xf32, #tpu.memory_space<vmem_shared>> -> memref<10240x128xf32, #tpu.memory_space<vmem_shared>>
        tpu.enqueue_indirect_dma source(%arg9 : memref<128x128xf32, #tpu.memory_space<vmem>>) target(%dma_start3A_18 : memref<10240x128xf32, #tpu.memory_space<vmem_shared>>) offsets(%dma_start3A_15 : memref<128xi32, #tpu.memory_space<vmem>>) semaphore(%run_scoped3A : memref<!tpu.dma_semaphore, #tpu.memory_space<semaphore_mem>>) {add = true}
        %dma_wait3A = arith.constant 0 : i32
        %dma_wait3A_19 = tpu.memref_slice %arg8[%scan3A_13, %dma_wait3A] : memref<80x128xi32, #tpu.memory_space<vmem>> -> memref<1x128xi32, #tpu.memory_space<vmem>>
        %dma_wait3A_20 = tpu.memref_squeeze %dma_wait3A_19 : memref<1x128xi32, #tpu.memory_space<vmem>> -> memref<128xi32, #tpu.memory_space<vmem>>
        %dma_wait3A_21 = arith.constant 0 : i32
        %dma_wait3A_22 = arith.constant 0 : i32
        %dma_wait3A_23 = tpu.memref_slice %arg10[%dma_wait3A_21, %dma_wait3A_22] : memref<10240x128xf32, #tpu.memory_space<vmem_shared>> -> memref<10240x128xf32, #tpu.memory_space<vmem_shared>>
        tpu.wait_indirect_dma semaphore(%run_scoped3A : memref<!tpu.dma_semaphore, #tpu.memory_space<semaphore_mem>>) src(%arg9 : memref<128x128xf32, #tpu.memory_space<vmem>>) dst(%dma_wait3A_23 : memref<10240x128xf32, #tpu.memory_space<vmem_shared>>)
        tpu.yield
      }) : () -> ()
    }
    %scan3A_7 = arith.constant 80 : i32
    %barrier3A_8 = arith.constant 0 : index
    tpu.barrier barrier_id(%barrier3A_8)
    %mul3A_9 = arith.constant 640 : i32
    %mul3A_10 = arith.muli %arg1, %mul3A_9 : i32
    %mul3A_11 = arith.constant 640 : i32
    %mul3A_12 = arith.muli %arg1, %mul3A_11 : i32
    "tpu.region"() ({
      %run_scoped3A = tpu.sem_alloc : memref<!tpu.dma_semaphore, #tpu.memory_space<semaphore_mem>>
      %dma_start3A = arith.constant 0 : i32
      %dma_start3A_13 = tpu.memref_slice %arg6[%arg0, %mul3A_12, %dma_start3A] : memref<2x10240x128xf32, #tpu.memory_space<hbm>> -> memref<1x640x128xf32, #tpu.memory_space<hbm>>
      %dma_start3A_14 = tpu.memref_squeeze %dma_start3A_13 : memref<1x640x128xf32, #tpu.memory_space<hbm>> -> memref<640x128xf32, #tpu.memory_space<hbm>>
      %dma_start3A_15 = arith.constant 0 : i32
      %dma_start3A_16 = tpu.memref_slice %arg10[%mul3A_10, %dma_start3A_15] : memref<10240x128xf32, #tpu.memory_space<vmem_shared>> -> memref<640x128xf32, #tpu.memory_space<vmem_shared>>
      tpu.enqueue_dma source(%dma_start3A_16 : memref<640x128xf32, #tpu.memory_space<vmem_shared>>) target(%dma_start3A_14 : memref<640x128xf32, #tpu.memory_space<hbm>>) target_semaphore(%run_scoped3A : memref<!tpu.dma_semaphore, #tpu.memory_space<semaphore_mem>>)
      %dma_wait3A = arith.constant 0 : i32
      %dma_wait3A_17 = tpu.memref_slice %arg6[%arg0, %mul3A_12, %dma_wait3A] : memref<2x10240x128xf32, #tpu.memory_space<hbm>> -> memref<1x640x128xf32, #tpu.memory_space<hbm>>
      %dma_wait3A_18 = tpu.memref_squeeze %dma_wait3A_17 : memref<1x640x128xf32, #tpu.memory_space<hbm>> -> memref<640x128xf32, #tpu.memory_space<hbm>>
      %dma_wait3A_19 = arith.constant 0 : i32
      %dma_wait3A_20 = tpu.memref_slice %arg10[%mul3A_10, %dma_wait3A_19] : memref<10240x128xf32, #tpu.memory_space<vmem_shared>> -> memref<640x128xf32, #tpu.memory_space<vmem_shared>>
      tpu.wait_dma2 semaphore(%run_scoped3A : memref<!tpu.dma_semaphore, #tpu.memory_space<semaphore_mem>>) src(%dma_wait3A_20 : memref<640x128xf32, #tpu.memory_space<vmem_shared>>) dst(%dma_wait3A_18 : memref<640x128xf32, #tpu.memory_space<hbm>>)
      tpu.yield
    }) : () -> ()
    return
  }
}

#map = affine_map<(d0, d1) -> (0, 0)>
#map1 = affine_map<(d0, d1) -> (0, 0, 0)>
module attributes {stable_mosaic.version = 14 : i64} {
  func.func @_prop_body(%arg0: i32, %arg1: i32, %arg2: memref<10000x128xf32, #tpu.memory_space<hbm>>, %arg3: memref<32x80x128xi32, #tpu.memory_space<hbm>>, %arg4: memref<32x80x128xi32, #tpu.memory_space<hbm>>, %arg5: memref<640x128xf32, #tpu.memory_space<hbm>>, %arg6: memref<2x10240x128xf32, #tpu.memory_space<hbm>>, %arg7: memref<80x128xi32, #tpu.memory_space<vmem>>, %arg8: memref<80x128xi32, #tpu.memory_space<vmem>>, %arg9: memref<128x128xf32, #tpu.memory_space<vmem>>, %arg10: memref<10240x128xf32, #tpu.memory_space<vmem_shared>>, %arg11: memref<!tpu.dma_semaphore, #tpu.memory_space<semaphore_mem>>) attributes {dimension_semantics = [#tpu.dimension_semantics<core_parallel>, #tpu.dimension_semantics<subcore_parallel>], iteration_bounds = array<i64: 2, 16>, scalar_prefetch = 0 : i64, scratch_operands = 5 : i64, tpu.core_type = #tpu.core_type<sc_vector_subcore>, window_params = [{transform_indices = #map}, {transform_indices = #map1}, {transform_indices = #map1}, {transform_indices = #map}, {transform_indices = #map1}]} {
    %mul3A = arith.constant 16 : i32
    %mul3A_0 = arith.muli %arg0, %mul3A : i32
    %add3A = arith.addi %mul3A_0, %arg1 : i32
    "tpu.region"() ({
      %run_scoped3A = tpu.sem_alloc : memref<!tpu.dma_semaphore, #tpu.memory_space<semaphore_mem>>
      %dma_start3A = arith.constant 0 : i32
      %dma_start3A_13 = arith.constant 0 : i32
      %dma_start3A_14 = tpu.memref_slice %arg3[%add3A, %dma_start3A, %dma_start3A_13] : memref<32x80x128xi32, #tpu.memory_space<hbm>> -> memref<1x80x128xi32, #tpu.memory_space<hbm>>
      %dma_start3A_15 = tpu.memref_squeeze %dma_start3A_14 : memref<1x80x128xi32, #tpu.memory_space<hbm>> -> memref<80x128xi32, #tpu.memory_space<hbm>>
      %dma_start3A_16 = arith.constant 0 : i32
      %dma_start3A_17 = arith.constant 0 : i32
      %dma_start3A_18 = tpu.memref_slice %arg3[%add3A, %dma_start3A_16, %dma_start3A_17] : memref<32x80x128xi32, #tpu.memory_space<hbm>> -> memref<1x80x128xi32, #tpu.memory_space<hbm>>
      %dma_start3A_19 = tpu.memref_squeeze %dma_start3A_18 : memref<1x80x128xi32, #tpu.memory_space<hbm>> -> memref<80x128xi32, #tpu.memory_space<hbm>>
      tpu.enqueue_dma source(%dma_start3A_19 : memref<80x128xi32, #tpu.memory_space<hbm>>) target(%arg7 : memref<80x128xi32, #tpu.memory_space<vmem>>) target_semaphore(%run_scoped3A : memref<!tpu.dma_semaphore, #tpu.memory_space<semaphore_mem>>)
      %dma_wait3A = arith.constant 0 : i32
      %dma_wait3A_20 = arith.constant 0 : i32
      %dma_wait3A_21 = tpu.memref_slice %arg3[%add3A, %dma_wait3A, %dma_wait3A_20] : memref<32x80x128xi32, #tpu.memory_space<hbm>> -> memref<1x80x128xi32, #tpu.memory_space<hbm>>
      %dma_wait3A_22 = tpu.memref_squeeze %dma_wait3A_21 : memref<1x80x128xi32, #tpu.memory_space<hbm>> -> memref<80x128xi32, #tpu.memory_space<hbm>>
      %dma_wait3A_23 = arith.constant 0 : i32
      %dma_wait3A_24 = arith.constant 0 : i32
      %dma_wait3A_25 = tpu.memref_slice %arg3[%add3A, %dma_wait3A_23, %dma_wait3A_24] : memref<32x80x128xi32, #tpu.memory_space<hbm>> -> memref<1x80x128xi32, #tpu.memory_space<hbm>>
      %dma_wait3A_26 = tpu.memref_squeeze %dma_wait3A_25 : memref<1x80x128xi32, #tpu.memory_space<hbm>> -> memref<80x128xi32, #tpu.memory_space<hbm>>
      tpu.wait_dma2 semaphore(%run_scoped3A : memref<!tpu.dma_semaphore, #tpu.memory_space<semaphore_mem>>) src(%dma_wait3A_26 : memref<80x128xi32, #tpu.memory_space<hbm>>) dst(%arg7 : memref<80x128xi32, #tpu.memory_space<vmem>>)
      tpu.yield
    }) : () -> ()
    "tpu.region"() ({
      %run_scoped3A = tpu.sem_alloc : memref<!tpu.dma_semaphore, #tpu.memory_space<semaphore_mem>>
      %dma_start3A = arith.constant 0 : i32
      %dma_start3A_13 = arith.constant 0 : i32
      %dma_start3A_14 = tpu.memref_slice %arg4[%add3A, %dma_start3A, %dma_start3A_13] : memref<32x80x128xi32, #tpu.memory_space<hbm>> -> memref<1x80x128xi32, #tpu.memory_space<hbm>>
      %dma_start3A_15 = tpu.memref_squeeze %dma_start3A_14 : memref<1x80x128xi32, #tpu.memory_space<hbm>> -> memref<80x128xi32, #tpu.memory_space<hbm>>
      %dma_start3A_16 = arith.constant 0 : i32
      %dma_start3A_17 = arith.constant 0 : i32
      %dma_start3A_18 = tpu.memref_slice %arg4[%add3A, %dma_start3A_16, %dma_start3A_17] : memref<32x80x128xi32, #tpu.memory_space<hbm>> -> memref<1x80x128xi32, #tpu.memory_space<hbm>>
      %dma_start3A_19 = tpu.memref_squeeze %dma_start3A_18 : memref<1x80x128xi32, #tpu.memory_space<hbm>> -> memref<80x128xi32, #tpu.memory_space<hbm>>
      tpu.enqueue_dma source(%dma_start3A_19 : memref<80x128xi32, #tpu.memory_space<hbm>>) target(%arg8 : memref<80x128xi32, #tpu.memory_space<vmem>>) target_semaphore(%run_scoped3A : memref<!tpu.dma_semaphore, #tpu.memory_space<semaphore_mem>>)
      %dma_wait3A = arith.constant 0 : i32
      %dma_wait3A_20 = arith.constant 0 : i32
      %dma_wait3A_21 = tpu.memref_slice %arg4[%add3A, %dma_wait3A, %dma_wait3A_20] : memref<32x80x128xi32, #tpu.memory_space<hbm>> -> memref<1x80x128xi32, #tpu.memory_space<hbm>>
      %dma_wait3A_22 = tpu.memref_squeeze %dma_wait3A_21 : memref<1x80x128xi32, #tpu.memory_space<hbm>> -> memref<80x128xi32, #tpu.memory_space<hbm>>
      %dma_wait3A_23 = arith.constant 0 : i32
      %dma_wait3A_24 = arith.constant 0 : i32
      %dma_wait3A_25 = tpu.memref_slice %arg4[%add3A, %dma_wait3A_23, %dma_wait3A_24] : memref<32x80x128xi32, #tpu.memory_space<hbm>> -> memref<1x80x128xi32, #tpu.memory_space<hbm>>
      %dma_wait3A_26 = tpu.memref_squeeze %dma_wait3A_25 : memref<1x80x128xi32, #tpu.memory_space<hbm>> -> memref<80x128xi32, #tpu.memory_space<hbm>>
      tpu.wait_dma2 semaphore(%run_scoped3A : memref<!tpu.dma_semaphore, #tpu.memory_space<semaphore_mem>>) src(%dma_wait3A_26 : memref<80x128xi32, #tpu.memory_space<hbm>>) dst(%arg8 : memref<80x128xi32, #tpu.memory_space<vmem>>)
      tpu.yield
    }) : () -> ()
    %mul3A_1 = arith.constant 640 : i32
    %mul3A_2 = arith.muli %arg1, %mul3A_1 : i32
    "tpu.region"() ({
      %run_scoped3A = tpu.sem_alloc : memref<!tpu.dma_semaphore, #tpu.memory_space<semaphore_mem>>
      %dma_start3A = arith.constant 0 : i32
      %dma_start3A_13 = tpu.memref_slice %arg10[%mul3A_2, %dma_start3A] : memref<10240x128xf32, #tpu.memory_space<vmem_shared>> -> memref<640x128xf32, #tpu.memory_space<vmem_shared>>
      tpu.enqueue_dma source(%arg5 : memref<640x128xf32, #tpu.memory_space<hbm>>) target(%dma_start3A_13 : memref<640x128xf32, #tpu.memory_space<vmem_shared>>) target_semaphore(%run_scoped3A : memref<!tpu.dma_semaphore, #tpu.memory_space<semaphore_mem>>)
      %dma_wait3A = arith.constant 0 : i32
      %dma_wait3A_14 = tpu.memref_slice %arg10[%mul3A_2, %dma_wait3A] : memref<10240x128xf32, #tpu.memory_space<vmem_shared>> -> memref<640x128xf32, #tpu.memory_space<vmem_shared>>
      tpu.wait_dma2 semaphore(%run_scoped3A : memref<!tpu.dma_semaphore, #tpu.memory_space<semaphore_mem>>) src(%arg5 : memref<640x128xf32, #tpu.memory_space<hbm>>) dst(%dma_wait3A_14 : memref<640x128xf32, #tpu.memory_space<vmem_shared>>)
      tpu.yield
    }) : () -> ()
    %barrier3A = arith.constant 0 : index
    tpu.barrier barrier_id(%barrier3A)
    %scan3A = arith.constant 0 : i32
    %scan3A_3 = arith.constant 0 : i32
    %scan3A_4 = arith.constant 80 : i32
    %scan3A_5 = arith.addi %scan3A_3, %scan3A_4 : i32
    %scan3A_6 = arith.constant 1 : i32
    scf.for %scan3A_13 = %scan3A_3 to %scan3A_5 step %scan3A_6  : i32 {
      "tpu.region"() ({
        %run_scoped3A = tpu.sem_alloc : memref<!tpu.dma_semaphore, #tpu.memory_space<semaphore_mem>>
        %dma_start3A = arith.constant 0 : i32
        %dma_start3A_14 = tpu.memref_slice %arg7[%scan3A_13, %dma_start3A] : memref<80x128xi32, #tpu.memory_space<vmem>> -> memref<1x128xi32, #tpu.memory_space<vmem>>
        %dma_start3A_15 = tpu.memref_squeeze %dma_start3A_14 : memref<1x128xi32, #tpu.memory_space<vmem>> -> memref<128xi32, #tpu.memory_space<vmem>>
        %dma_start3A_16 = arith.constant 0 : i32
        %dma_start3A_17 = arith.constant 0 : i32
        %dma_start3A_18 = tpu.memref_slice %arg2[%dma_start3A_16, %dma_start3A_17] : memref<10000x128xf32, #tpu.memory_space<hbm>> -> memref<10000x128xf32, #tpu.memory_space<hbm>>
        tpu.enqueue_indirect_dma source(%dma_start3A_18 : memref<10000x128xf32, #tpu.memory_space<hbm>>) target(%arg9 : memref<128x128xf32, #tpu.memory_space<vmem>>) offsets(%dma_start3A_15 : memref<128xi32, #tpu.memory_space<vmem>>) semaphore(%run_scoped3A : memref<!tpu.dma_semaphore, #tpu.memory_space<semaphore_mem>>)
        %dma_wait3A = arith.constant 0 : i32
        %dma_wait3A_19 = tpu.memref_slice %arg7[%scan3A_13, %dma_wait3A] : memref<80x128xi32, #tpu.memory_space<vmem>> -> memref<1x128xi32, #tpu.memory_space<vmem>>
        %dma_wait3A_20 = tpu.memref_squeeze %dma_wait3A_19 : memref<1x128xi32, #tpu.memory_space<vmem>> -> memref<128xi32, #tpu.memory_space<vmem>>
        %dma_wait3A_21 = arith.constant 0 : i32
        %dma_wait3A_22 = arith.constant 0 : i32
        %dma_wait3A_23 = tpu.memref_slice %arg2[%dma_wait3A_21, %dma_wait3A_22] : memref<10000x128xf32, #tpu.memory_space<hbm>> -> memref<10000x128xf32, #tpu.memory_space<hbm>>
        tpu.wait_indirect_dma semaphore(%run_scoped3A : memref<!tpu.dma_semaphore, #tpu.memory_space<semaphore_mem>>) src(%dma_wait3A_23 : memref<10000x128xf32, #tpu.memory_space<hbm>>) dst(%arg9 : memref<128x128xf32, #tpu.memory_space<vmem>>)
        tpu.yield
      }) : () -> ()
      "tpu.region"() ({
        %run_scoped3A = tpu.sem_alloc : memref<!tpu.dma_semaphore, #tpu.memory_space<semaphore_mem>>
        %dma_start3A = arith.constant 0 : i32
        %dma_start3A_14 = tpu.memref_slice %arg8[%scan3A_13, %dma_start3A] : memref<80x128xi32, #tpu.memory_space<vmem>> -> memref<1x128xi32, #tpu.memory_space<vmem>>
        %dma_start3A_15 = tpu.memref_squeeze %dma_start3A_14 : memref<1x128xi32, #tpu.memory_space<vmem>> -> memref<128xi32, #tpu.memory_space<vmem>>
        %dma_start3A_16 = arith.constant 0 : i32
        %dma_start3A_17 = arith.constant 0 : i32
        %dma_start3A_18 = tpu.memref_slice %arg10[%dma_start3A_16, %dma_start3A_17] : memref<10240x128xf32, #tpu.memory_space<vmem_shared>> -> memref<10240x128xf32, #tpu.memory_space<vmem_shared>>
        tpu.enqueue_indirect_dma source(%arg9 : memref<128x128xf32, #tpu.memory_space<vmem>>) target(%dma_start3A_18 : memref<10240x128xf32, #tpu.memory_space<vmem_shared>>) offsets(%dma_start3A_15 : memref<128xi32, #tpu.memory_space<vmem>>) semaphore(%run_scoped3A : memref<!tpu.dma_semaphore, #tpu.memory_space<semaphore_mem>>) {add = true}
        %dma_wait3A = arith.constant 0 : i32
        %dma_wait3A_19 = tpu.memref_slice %arg8[%scan3A_13, %dma_wait3A] : memref<80x128xi32, #tpu.memory_space<vmem>> -> memref<1x128xi32, #tpu.memory_space<vmem>>
        %dma_wait3A_20 = tpu.memref_squeeze %dma_wait3A_19 : memref<1x128xi32, #tpu.memory_space<vmem>> -> memref<128xi32, #tpu.memory_space<vmem>>
        %dma_wait3A_21 = arith.constant 0 : i32
        %dma_wait3A_22 = arith.constant 0 : i32
        %dma_wait3A_23 = tpu.memref_slice %arg10[%dma_wait3A_21, %dma_wait3A_22] : memref<10240x128xf32, #tpu.memory_space<vmem_shared>> -> memref<10240x128xf32, #tpu.memory_space<vmem_shared>>
        tpu.wait_indirect_dma semaphore(%run_scoped3A : memref<!tpu.dma_semaphore, #tpu.memory_space<semaphore_mem>>) src(%arg9 : memref<128x128xf32, #tpu.memory_space<vmem>>) dst(%dma_wait3A_23 : memref<10240x128xf32, #tpu.memory_space<vmem_shared>>)
        tpu.yield
      }) : () -> ()
    }
    %scan3A_7 = arith.constant 80 : i32
    %barrier3A_8 = arith.constant 0 : index
    tpu.barrier barrier_id(%barrier3A_8)
    %mul3A_9 = arith.constant 640 : i32
    %mul3A_10 = arith.muli %arg1, %mul3A_9 : i32
    %mul3A_11 = arith.constant 640 : i32
    %mul3A_12 = arith.muli %arg1, %mul3A_11 : i32
    "tpu.region"() ({
      %run_scoped3A = tpu.sem_alloc : memref<!tpu.dma_semaphore, #tpu.memory_space<semaphore_mem>>
      %dma_start3A = arith.constant 0 : i32
      %dma_start3A_13 = tpu.memref_slice %arg6[%arg0, %mul3A_12, %dma_start3A] : memref<2x10240x128xf32, #tpu.memory_space<hbm>> -> memref<1x640x128xf32, #tpu.memory_space<hbm>>
      %dma_start3A_14 = tpu.memref_squeeze %dma_start3A_13 : memref<1x640x128xf32, #tpu.memory_space<hbm>> -> memref<640x128xf32, #tpu.memory_space<hbm>>
      %dma_start3A_15 = arith.constant 0 : i32
      %dma_start3A_16 = tpu.memref_slice %arg10[%mul3A_10, %dma_start3A_15] : memref<10240x128xf32, #tpu.memory_space<vmem_shared>> -> memref<640x128xf32, #tpu.memory_space<vmem_shared>>
      tpu.enqueue_dma source(%dma_start3A_16 : memref<640x128xf32, #tpu.memory_space<vmem_shared>>) target(%dma_start3A_14 : memref<640x128xf32, #tpu.memory_space<hbm>>) target_semaphore(%run_scoped3A : memref<!tpu.dma_semaphore, #tpu.memory_space<semaphore_mem>>)
      %dma_wait3A = arith.constant 0 : i32
      %dma_wait3A_17 = tpu.memref_slice %arg6[%arg0, %mul3A_12, %dma_wait3A] : memref<2x10240x128xf32, #tpu.memory_space<hbm>> -> memref<1x640x128xf32, #tpu.memory_space<hbm>>
      %dma_wait3A_18 = tpu.memref_squeeze %dma_wait3A_17 : memref<1x640x128xf32, #tpu.memory_space<hbm>> -> memref<640x128xf32, #tpu.memory_space<hbm>>
      %dma_wait3A_19 = arith.constant 0 : i32
      %dma_wait3A_20 = tpu.memref_slice %arg10[%mul3A_10, %dma_wait3A_19] : memref<10240x128xf32, #tpu.memory_space<vmem_shared>> -> memref<640x128xf32, #tpu.memory_space<vmem_shared>>
      tpu.wait_dma2 semaphore(%run_scoped3A : memref<!tpu.dma_semaphore, #tpu.memory_space<semaphore_mem>>) src(%dma_wait3A_20 : memref<640x128xf32, #tpu.memory_space<vmem_shared>>) dst(%dma_wait3A_18 : memref<640x128xf32, #tpu.memory_space<hbm>>)
      tpu.yield
    }) : () -> ()
    return
  }
}

module attributes {stable_mosaic.version = 14 : i64} {
  func.func @_tc1_body(%arg0: i32, %arg1: memref<2x400x128xf32, #tpu.memory_space<vmem>>, %arg2: memref<400x128xf32, #tpu.memory_space<vmem>>, %arg3: memref<128x128xf32, #tpu.memory_space<vmem>>, %arg4: memref<400x128xf32, #tpu.memory_space<vmem>>, %arg5: memref<400x128xf32, #tpu.memory_space<vmem>>) attributes {dimension_semantics = [#tpu.dimension_semantics<arbitrary>], iteration_bounds = array<i64: 25>, scalar_prefetch = 0 : i64, scratch_operands = 0 : i64, tpu.core_type = #tpu.core_type<tc>, window_params = [{transform_indices = @transform_0, window_bounds = array<i64: 2, 400, 128>}, {transform_indices = @transform_1, window_bounds = array<i64: 400, 128>}, {pipeline_mode = #tpu.pipeline_mode<synchronous>, transform_indices = @transform_2, window_bounds = array<i64: 128, 128>}, {transform_indices = @transform_3, window_bounds = array<i64: 400, 128>}, {transform_indices = @transform_4, window_bounds = array<i64: 400, 128>}]} {
    %get3A = arith.constant 0 : index
    %get3A_0 = arith.constant 0 : index
    %get3A_1 = arith.constant 0 : index
    %get3A_2 = vector.load %arg1[%get3A, %get3A_0, %get3A_1] : memref<2x400x128xf32, #tpu.memory_space<vmem>>, vector<1x400x1xf32>
    %get3A_3 = vector.shape_cast %get3A_2 : vector<1x400x1xf32> to vector<400x1xf32>
    %get3A_4 = arith.constant 1 : index
    %get3A_5 = arith.constant 0 : index
    %get3A_6 = arith.constant 0 : index
    %get3A_7 = vector.load %arg1[%get3A_4, %get3A_5, %get3A_6] : memref<2x400x128xf32, #tpu.memory_space<vmem>>, vector<1x400x1xf32>
    %get3A_8 = vector.shape_cast %get3A_7 : vector<1x400x1xf32> to vector<400x1xf32>
    %add3A = arith.addf %get3A_3, %get3A_8 : vector<400x1xf32>
    %add3A_9 = arith.constant 1.000000e+00 : f32
    %add3A_10 = vector.broadcast %add3A_9 : f32 to vector<400x1xf32>
    %add3A_11 = arith.addf %add3A, %add3A_10 : vector<400x1xf32>
    %rsqrt3A = math.rsqrt %add3A_11 : vector<400x1xf32>
    %get3A_12 = arith.constant 0 : index
    %get3A_13 = arith.constant 0 : index
    %get3A_14 = vector.load %arg2[%get3A_12, %get3A_13] : memref<400x128xf32, #tpu.memory_space<vmem>>, vector<400x128xf32>
    %get3A_15 = arith.constant 0 : index
    %get3A_16 = arith.constant 0 : index
    %get3A_17 = vector.load %arg3[%get3A_15, %get3A_16] : memref<128x128xf32, #tpu.memory_space<vmem>>, vector<128x128xf32>
    %dot_general3A = arith.constant dense<0.000000e+00> : vector<400x128xf32>
    %dot_general3A_18 = tpu.matmul %get3A_14, %get3A_17, %dot_general3A {dimension_numbers = #tpu.dot_dimension_numbers<[1], [0], [0], [1], [0, 0, 1, 1], [], []>, transpose_lhs_hint = false} : vector<400x128xf32>, vector<128x128xf32>, vector<400x128xf32> -> vector<400x128xf32>
    %mul3A = vector.broadcast %rsqrt3A : vector<400x1xf32> to vector<400x128xf32>
    %mul3A_19 = arith.mulf %dot_general3A_18, %mul3A : vector<400x128xf32>
    %swap3A = arith.constant 0 : index
    %swap3A_20 = arith.constant 0 : index
    %swap3A_21 = vector.load %arg4[%swap3A, %swap3A_20] : memref<400x128xf32, #tpu.memory_space<vmem>>, vector<400x128xf32>
    tpu.vector_store %arg4[%swap3A, %swap3A_20], %mul3A_19 {strides = array<i32>} : memref<400x128xf32, #tpu.memory_space<vmem>>, vector<400x128xf32>,
    %broadcast_in_dim3A = vector.shape_cast %rsqrt3A : vector<400x1xf32> to vector<400x1xf32>
    %broadcast_in_dim3A_22 = vector.broadcast %broadcast_in_dim3A : vector<400x1xf32> to vector<400x128xf32>
    %swap3A_23 = arith.constant 0 : index
    %swap3A_24 = arith.constant 0 : index
    %swap3A_25 = vector.load %arg5[%swap3A_23, %swap3A_24] : memref<400x128xf32, #tpu.memory_space<vmem>>, vector<400x128xf32>
    tpu.vector_store %arg5[%swap3A_23, %swap3A_24], %broadcast_in_dim3A_22 {strides = array<i32>} : memref<400x128xf32, #tpu.memory_space<vmem>>, vector<400x128xf32>,
    return
  }
  func.func @transform_0(%arg0: i32) -> (i32, i32, i32) {
    %c0_i32 = arith.constant 0 : i32
    %c0_i32_0 = arith.constant 0 : i32
    %c0_i32_1 = arith.constant 0 : i32
    return %c0_i32, %arg0, %c0_i32_0 : i32, i32, i32
  }
  func.func @transform_1(%arg0: i32) -> (i32, i32) {
    %c0_i32 = arith.constant 0 : i32
    %c0_i32_0 = arith.constant 0 : i32
    return %arg0, %c0_i32 : i32, i32
  }
  func.func @transform_2(%arg0: i32) -> (i32, i32) {
    %c0_i32 = arith.constant 0 : i32
    %c0_i32_0 = arith.constant 0 : i32
    %c0_i32_1 = arith.constant 0 : i32
    return %c0_i32, %c0_i32_0 : i32, i32
  }
  func.func @transform_3(%arg0: i32) -> (i32, i32) {
    %c0_i32 = arith.constant 0 : i32
    %c0_i32_0 = arith.constant 0 : i32
    return %arg0, %c0_i32 : i32, i32
  }
  func.func @transform_4(%arg0: i32) -> (i32, i32) {
    %c0_i32 = arith.constant 0 : i32
    %c0_i32_0 = arith.constant 0 : i32
    return %arg0, %c0_i32 : i32, i32
  }
}

module attributes {stable_mosaic.version = 14 : i64} {
  func.func @_tc2_body(%arg0: i32, %arg1: memref<2x400x128xf32, #tpu.memory_space<vmem>>, %arg2: memref<400x128xf32, #tpu.memory_space<vmem>>, %arg3: memref<400x128xf32, #tpu.memory_space<vmem>>, %arg4: memref<1x128xf32, #tpu.memory_space<vmem>>, %arg5: memref<400x128xf32, #tpu.memory_space<vmem>>) attributes {dimension_semantics = [#tpu.dimension_semantics<arbitrary>], iteration_bounds = array<i64: 25>, scalar_prefetch = 0 : i64, scratch_operands = 0 : i64, tpu.core_type = #tpu.core_type<tc>, window_params = [{transform_indices = @transform_0, window_bounds = array<i64: 2, 400, 128>}, {transform_indices = @transform_1, window_bounds = array<i64: 400, 128>}, {transform_indices = @transform_2, window_bounds = array<i64: 400, 128>}, {pipeline_mode = #tpu.pipeline_mode<synchronous>, transform_indices = @transform_3, window_bounds = array<i64: 1, 128>}, {transform_indices = @transform_4, window_bounds = array<i64: 400, 128>}]} {
    %get3A = arith.constant 0 : index
    %get3A_0 = arith.constant 0 : index
    %get3A_1 = arith.constant 0 : index
    %get3A_2 = vector.load %arg1[%get3A, %get3A_0, %get3A_1] : memref<2x400x128xf32, #tpu.memory_space<vmem>>, vector<1x400x128xf32>
    %get3A_3 = vector.shape_cast %get3A_2 : vector<1x400x128xf32> to vector<400x128xf32>
    %get3A_4 = arith.constant 1 : index
    %get3A_5 = arith.constant 0 : index
    %get3A_6 = arith.constant 0 : index
    %get3A_7 = vector.load %arg1[%get3A_4, %get3A_5, %get3A_6] : memref<2x400x128xf32, #tpu.memory_space<vmem>>, vector<1x400x128xf32>
    %get3A_8 = vector.shape_cast %get3A_7 : vector<1x400x128xf32> to vector<400x128xf32>
    %add3A = arith.addf %get3A_3, %get3A_8 : vector<400x128xf32>
    %get3A_9 = arith.constant 0 : index
    %get3A_10 = arith.constant 0 : index
    %get3A_11 = vector.load %arg3[%get3A_9, %get3A_10] : memref<400x128xf32, #tpu.memory_space<vmem>>, vector<400x128xf32>
    %get3A_12 = arith.constant 0 : index
    %get3A_13 = arith.constant 0 : index
    %get3A_14 = vector.load %arg2[%get3A_12, %get3A_13] : memref<400x128xf32, #tpu.memory_space<vmem>>, vector<400x128xf32>
    %add3A_15 = arith.addf %add3A, %get3A_14 : vector<400x128xf32>
    %mul3A = arith.mulf %get3A_11, %add3A_15 : vector<400x128xf32>
    %get3A_16 = arith.constant 0 : index
    %get3A_17 = arith.constant 0 : index
    %get3A_18 = vector.load %arg4[%get3A_16, %get3A_17] : memref<1x128xf32, #tpu.memory_space<vmem>>, vector<1x128xf32>
    %add3A_19 = vector.broadcast %get3A_18 : vector<1x128xf32> to vector<400x128xf32>
    %add3A_20 = arith.addf %mul3A, %add3A_19 : vector<400x128xf32>
    %max3A = arith.constant 0.000000e+00 : f32
    %max3A_21 = vector.broadcast %max3A : f32 to vector<400x128xf32>
    %max3A_22 = arith.maximumf %add3A_20, %max3A_21 : vector<400x128xf32>
    %mul3A_23 = arith.mulf %get3A_11, %max3A_22 : vector<400x128xf32>
    %swap3A = arith.constant 0 : index
    %swap3A_24 = arith.constant 0 : index
    %swap3A_25 = vector.load %arg5[%swap3A, %swap3A_24] : memref<400x128xf32, #tpu.memory_space<vmem>>, vector<400x128xf32>
    tpu.vector_store %arg5[%swap3A, %swap3A_24], %mul3A_23 {strides = array<i32>} : memref<400x128xf32, #tpu.memory_space<vmem>>, vector<400x128xf32>,
    return
  }
  func.func @transform_0(%arg0: i32) -> (i32, i32, i32) {
    %c0_i32 = arith.constant 0 : i32
    %c0_i32_0 = arith.constant 0 : i32
    %c0_i32_1 = arith.constant 0 : i32
    return %c0_i32, %arg0, %c0_i32_0 : i32, i32, i32
  }
  func.func @transform_1(%arg0: i32) -> (i32, i32) {
    %c0_i32 = arith.constant 0 : i32
    %c0_i32_0 = arith.constant 0 : i32
    return %arg0, %c0_i32 : i32, i32
  }
  func.func @transform_2(%arg0: i32) -> (i32, i32) {
    %c0_i32 = arith.constant 0 : i32
    %c0_i32_0 = arith.constant 0 : i32
    return %arg0, %c0_i32 : i32, i32
  }
  func.func @transform_3(%arg0: i32) -> (i32, i32) {
    %c0_i32 = arith.constant 0 : i32
    %c0_i32_0 = arith.constant 0 : i32
    %c0_i32_1 = arith.constant 0 : i32
    return %c0_i32, %c0_i32_0 : i32, i32
  }
  func.func @transform_4(%arg0: i32) -> (i32, i32) {
    %c0_i32 = arith.constant 0 : i32
    %c0_i32_0 = arith.constant 0 : i32
    return %arg0, %c0_i32 : i32, i32
  }
}

module attributes {stable_mosaic.version = 14 : i64} {
  func.func @_tc3_body(%arg0: i32, %arg1: memref<2x400x128xf32, #tpu.memory_space<vmem>>, %arg2: memref<400x128xf32, #tpu.memory_space<vmem>>, %arg3: memref<400x128xf32, #tpu.memory_space<vmem>>, %arg4: memref<128x256xf32, #tpu.memory_space<vmem>>, %arg5: memref<1x256xf32, #tpu.memory_space<vmem>>, %arg6: memref<256x256xf32, #tpu.memory_space<vmem>>, %arg7: memref<2x400x128xf32, #tpu.memory_space<vmem>>) attributes {dimension_semantics = [#tpu.dimension_semantics<arbitrary>], iteration_bounds = array<i64: 25>, scalar_prefetch = 0 : i64, scratch_operands = 0 : i64, tpu.core_type = #tpu.core_type<tc>, window_params = [{transform_indices = @transform_0, window_bounds = array<i64: 2, 400, 128>}, {transform_indices = @transform_1, window_bounds = array<i64: 400, 128>}, {transform_indices = @transform_2, window_bounds = array<i64: 400, 128>}, {pipeline_mode = #tpu.pipeline_mode<synchronous>, transform_indices = @transform_3, window_bounds = array<i64: 128, 256>}, {pipeline_mode = #tpu.pipeline_mode<synchronous>, transform_indices = @transform_4, window_bounds = array<i64: 1, 256>}, {pipeline_mode = #tpu.pipeline_mode<synchronous>, transform_indices = @transform_5, window_bounds = array<i64: 256, 256>}, {transform_indices = @transform_6, window_bounds = array<i64: 2, 400, 128>}]} {
    %get3A = arith.constant 0 : index
    %get3A_0 = arith.constant 0 : index
    %get3A_1 = arith.constant 0 : index
    %get3A_2 = vector.load %arg1[%get3A, %get3A_0, %get3A_1] : memref<2x400x128xf32, #tpu.memory_space<vmem>>, vector<1x400x128xf32>
    %get3A_3 = vector.shape_cast %get3A_2 : vector<1x400x128xf32> to vector<400x128xf32>
    %get3A_4 = arith.constant 1 : index
    %get3A_5 = arith.constant 0 : index
    %get3A_6 = arith.constant 0 : index
    %get3A_7 = vector.load %arg1[%get3A_4, %get3A_5, %get3A_6] : memref<2x400x128xf32, #tpu.memory_space<vmem>>, vector<1x400x128xf32>
    %get3A_8 = vector.shape_cast %get3A_7 : vector<1x400x128xf32> to vector<400x128xf32>
    %add3A = arith.addf %get3A_3, %get3A_8 : vector<400x128xf32>
    %get3A_9 = arith.constant 0 : index
    %get3A_10 = arith.constant 0 : index
    %get3A_11 = vector.load %arg3[%get3A_9, %get3A_10] : memref<400x128xf32, #tpu.memory_space<vmem>>, vector<400x128xf32>
    %get3A_12 = arith.constant 0 : index
    %get3A_13 = arith.constant 0 : index
    %get3A_14 = vector.load %arg2[%get3A_12, %get3A_13] : memref<400x128xf32, #tpu.memory_space<vmem>>, vector<400x128xf32>
    %add3A_15 = arith.addf %add3A, %get3A_14 : vector<400x128xf32>
    %mul3A = arith.mulf %get3A_11, %add3A_15 : vector<400x128xf32>
    %get3A_16 = arith.constant 0 : index
    %get3A_17 = arith.constant 0 : index
    %get3A_18 = vector.load %arg4[%get3A_16, %get3A_17] : memref<128x256xf32, #tpu.memory_space<vmem>>, vector<128x256xf32>
    %dot_general3A = arith.constant dense<0.000000e+00> : vector<400x256xf32>
    %dot_general3A_19 = tpu.matmul %mul3A, %get3A_18, %dot_general3A {dimension_numbers = #tpu.dot_dimension_numbers<[1], [0], [0], [1], [0, 0, 1, 1], [], []>, transpose_lhs_hint = false} : vector<400x128xf32>, vector<128x256xf32>, vector<400x256xf32> -> vector<400x256xf32>
    %get3A_20 = arith.constant 0 : index
    %get3A_21 = arith.constant 0 : index
    %get3A_22 = vector.load %arg5[%get3A_20, %get3A_21] : memref<1x256xf32, #tpu.memory_space<vmem>>, vector<1x256xf32>
    %add3A_23 = vector.broadcast %get3A_22 : vector<1x256xf32> to vector<400x256xf32>
    %add3A_24 = arith.addf %dot_general3A_19, %add3A_23 : vector<400x256xf32>
    %max3A = arith.constant 0.000000e+00 : f32
    %max3A_25 = vector.broadcast %max3A : f32 to vector<400x256xf32>
    %max3A_26 = arith.maximumf %add3A_24, %max3A_25 : vector<400x256xf32>
    %get3A_27 = arith.constant 0 : index
    %get3A_28 = arith.constant 0 : index
    %get3A_29 = vector.load %arg6[%get3A_27, %get3A_28] : memref<256x256xf32, #tpu.memory_space<vmem>>, vector<256x256xf32>
    %dot_general3A_30 = arith.constant dense<0.000000e+00> : vector<400x256xf32>
    %dot_general3A_31 = tpu.matmul %max3A_26, %get3A_29, %dot_general3A_30 {dimension_numbers = #tpu.dot_dimension_numbers<[1], [0], [0], [1], [0, 0, 1, 1], [], []>, transpose_lhs_hint = false} : vector<400x256xf32>, vector<256x256xf32>, vector<400x256xf32> -> vector<400x256xf32>
    %concatenate3A = tpu.concatenate %get3A_11, %get3A_11 in 1 : vector<400x128xf32>, vector<400x128xf32> -> vector<400x256xf32>
    %mul3A_32 = arith.mulf %concatenate3A, %dot_general3A_31 : vector<400x256xf32>
    %slice3A = vector.extract_strided_slice %mul3A_32 {offsets = [0, 0], sizes = [400, 128], strides = [1, 1]} : vector<400x256xf32> to vector<400x128xf32>
    %swap3A = arith.constant 0 : index
    %swap3A_33 = arith.constant 0 : index
    %swap3A_34 = arith.constant 0 : index
    %swap3A_35 = vector.load %arg7[%swap3A, %swap3A_33, %swap3A_34] : memref<2x400x128xf32, #tpu.memory_space<vmem>>, vector<1x400x128xf32>
    %swap3A_36 = vector.shape_cast %swap3A_35 : vector<1x400x128xf32> to vector<400x128xf32>
    %swap3A_37 = vector.shape_cast %slice3A : vector<400x128xf32> to vector<1x400x128xf32>
    tpu.vector_store %arg7[%swap3A, %swap3A_33, %swap3A_34], %swap3A_37 {strides = array<i32>} : memref<2x400x128xf32, #tpu.memory_space<vmem>>, vector<1x400x128xf32>,
    %slice3A_38 = vector.extract_strided_slice %mul3A_32 {offsets = [0, 128], sizes = [400, 128], strides = [1, 1]} : vector<400x256xf32> to vector<400x128xf32>
    %swap3A_39 = arith.constant 1 : index
    %swap3A_40 = arith.constant 0 : index
    %swap3A_41 = arith.constant 0 : index
    %swap3A_42 = vector.load %arg7[%swap3A_39, %swap3A_40, %swap3A_41] : memref<2x400x128xf32, #tpu.memory_space<vmem>>, vector<1x400x128xf32>
    %swap3A_43 = vector.shape_cast %swap3A_42 : vector<1x400x128xf32> to vector<400x128xf32>
    %swap3A_44 = vector.shape_cast %slice3A_38 : vector<400x128xf32> to vector<1x400x128xf32>
    tpu.vector_store %arg7[%swap3A_39, %swap3A_40, %swap3A_41], %swap3A_44 {strides = array<i32>} : memref<2x400x128xf32, #tpu.memory_space<vmem>>, vector<1x400x128xf32>,
    return
  }
  func.func @transform_0(%arg0: i32) -> (i32, i32, i32) {
    %c0_i32 = arith.constant 0 : i32
    %c0_i32_0 = arith.constant 0 : i32
    %c0_i32_1 = arith.constant 0 : i32
    return %c0_i32, %arg0, %c0_i32_0 : i32, i32, i32
  }
  func.func @transform_1(%arg0: i32) -> (i32, i32) {
    %c0_i32 = arith.constant 0 : i32
    %c0_i32_0 = arith.constant 0 : i32
    return %arg0, %c0_i32 : i32, i32
  }
  func.func @transform_2(%arg0: i32) -> (i32, i32) {
    %c0_i32 = arith.constant 0 : i32
    %c0_i32_0 = arith.constant 0 : i32
    return %arg0, %c0_i32 : i32, i32
  }
  func.func @transform_3(%arg0: i32) -> (i32, i32) {
    %c0_i32 = arith.constant 0 : i32
    %c0_i32_0 = arith.constant 0 : i32
    %c0_i32_1 = arith.constant 0 : i32
    return %c0_i32, %c0_i32_0 : i32, i32
  }
  func.func @transform_4(%arg0: i32) -> (i32, i32) {
    %c0_i32 = arith.constant 0 : i32
    %c0_i32_0 = arith.constant 0 : i32
    %c0_i32_1 = arith.constant 0 : i32
    return %c0_i32, %c0_i32_0 : i32, i32
  }
  func.func @transform_5(%arg0: i32) -> (i32, i32) {
    %c0_i32 = arith.constant 0 : i32
    %c0_i32_0 = arith.constant 0 : i32
    %c0_i32_1 = arith.constant 0 : i32
    return %c0_i32, %c0_i32_0 : i32, i32
  }
  func.func @transform_6(%arg0: i32) -> (i32, i32, i32) {
    %c0_i32 = arith.constant 0 : i32
    %c0_i32_0 = arith.constant 0 : i32
    %c0_i32_1 = arith.constant 0 : i32
    return %c0_i32, %arg0, %c0_i32_0 : i32, i32, i32
  }
}

module attributes {stable_mosaic.version = 14 : i64} {
  func.func @_tc4_body(%arg0: i32, %arg1: memref<2x400x128xf32, #tpu.memory_space<vmem>>, %arg2: memref<2x400x128xf32, #tpu.memory_space<vmem>>, %arg3: memref<2x400x128xf32, #tpu.memory_space<vmem>>, %arg4: memref<400x128xf32, #tpu.memory_space<vmem>>, %arg5: memref<1x256xf32, #tpu.memory_space<vmem>>, %arg6: memref<1x1x400xi32, #tpu.memory_space<vmem>>, %arg7: memref<256x512xf32, #tpu.memory_space<vmem>>, %arg8: memref<1x512xf32, #tpu.memory_space<vmem>>, %arg9: memref<512x10xf32, #tpu.memory_space<vmem>>, %arg10: memref<1x10xf32, #tpu.memory_space<vmem>>, %arg11: memref<64x10xf32, #tpu.memory_space<vmem>>, %arg12: memref<64x256xf32, #tpu.memory_space<vmem>>, %arg13: memref<64x128xf32, #tpu.memory_space<vmem>>) attributes {dimension_semantics = [#tpu.dimension_semantics<arbitrary>], iteration_bounds = array<i64: 25>, scalar_prefetch = 0 : i64, scratch_operands = 2 : i64, tpu.core_type = #tpu.core_type<tc>, window_params = [{transform_indices = @transform_0, window_bounds = array<i64: 2, 400, 128>}, {transform_indices = @transform_1, window_bounds = array<i64: 2, 400, 128>}, {transform_indices = @transform_2, window_bounds = array<i64: 2, 400, 128>}, {transform_indices = @transform_3, window_bounds = array<i64: 400, 128>}, {pipeline_mode = #tpu.pipeline_mode<synchronous>, transform_indices = @transform_4, window_bounds = array<i64: 1, 256>}, {transform_indices = @transform_5, window_bounds = array<i64: 1, 1, 400>}, {pipeline_mode = #tpu.pipeline_mode<synchronous>, transform_indices = @transform_6, window_bounds = array<i64: 256, 512>}, {pipeline_mode = #tpu.pipeline_mode<synchronous>, transform_indices = @transform_7, window_bounds = array<i64: 1, 512>}, {pipeline_mode = #tpu.pipeline_mode<synchronous>, transform_indices = @transform_8, window_bounds = array<i64: 512, 10>}, {pipeline_mode = #tpu.pipeline_mode<synchronous>, transform_indices = @transform_9, window_bounds = array<i64: 1, 10>}, {pipeline_mode = #tpu.pipeline_mode<synchronous>, transform_indices = @transform_10, window_bounds = array<i64: 64, 10>}]} {
    %eq3A = arith.constant 0 : i32
    %eq3A_0 = arith.cmpi eq, %arg0, %eq3A : i32
    %convert_element_type3A = arith.extui %eq3A_0 : i1 to i32
    %cond3A = arith.constant 0 : i32
    %cond3A_1 = arith.cmpi ne, %convert_element_type3A, %cond3A : i32
    scf.if %cond3A_1 {
      %broadcast_in_dim3A_78 = arith.constant 0.000000e+00 : f32
      %broadcast_in_dim3A_79 = vector.broadcast %broadcast_in_dim3A_78 : f32 to vector<64x256xf32>
      %swap3A_80 = arith.constant 0 : index
      %swap3A_81 = arith.constant 0 : index
      %swap3A_82 = vector.load %arg12[%swap3A_80, %swap3A_81] : memref<64x256xf32, #tpu.memory_space<vmem>>, vector<64x256xf32>
      tpu.vector_store %arg12[%swap3A_80, %swap3A_81], %broadcast_in_dim3A_79 {strides = array<i32>} : memref<64x256xf32, #tpu.memory_space<vmem>>, vector<64x256xf32>,
      %broadcast_in_dim3A_83 = arith.constant 0.000000e+00 : f32
      %broadcast_in_dim3A_84 = vector.broadcast %broadcast_in_dim3A_83 : f32 to vector<64x128xf32>
      %swap3A_85 = arith.constant 0 : index
      %swap3A_86 = arith.constant 0 : index
      %swap3A_87 = vector.load %arg13[%swap3A_85, %swap3A_86] : memref<64x128xf32, #tpu.memory_space<vmem>>, vector<64x128xf32>
      tpu.vector_store %arg13[%swap3A_85, %swap3A_86], %broadcast_in_dim3A_84 {strides = array<i32>} : memref<64x128xf32, #tpu.memory_space<vmem>>, vector<64x128xf32>,
    } else {
    }
    %get3A = arith.constant 0 : index
    %get3A_2 = arith.constant 0 : index
    %get3A_3 = vector.load %arg4[%get3A, %get3A_2] : memref<400x128xf32, #tpu.memory_space<vmem>>, vector<400x128xf32>
    %get3A_4 = arith.constant 0 : index
    %get3A_5 = arith.constant 0 : index
    %get3A_6 = arith.constant 0 : index
    %get3A_7 = vector.load %arg1[%get3A_4, %get3A_5, %get3A_6] : memref<2x400x128xf32, #tpu.memory_space<vmem>>, vector<1x400x128xf32>
    %get3A_8 = vector.shape_cast %get3A_7 : vector<1x400x128xf32> to vector<400x128xf32>
    %get3A_9 = arith.constant 1 : index
    %get3A_10 = arith.constant 0 : index
    %get3A_11 = arith.constant 0 : index
    %get3A_12 = vector.load %arg1[%get3A_9, %get3A_10, %get3A_11] : memref<2x400x128xf32, #tpu.memory_space<vmem>>, vector<1x400x128xf32>
    %get3A_13 = vector.shape_cast %get3A_12 : vector<1x400x128xf32> to vector<400x128xf32>
    %add3A = arith.addf %get3A_8, %get3A_13 : vector<400x128xf32>
    %get3A_14 = arith.constant 0 : index
    %get3A_15 = arith.constant 0 : index
    %get3A_16 = arith.constant 0 : index
    %get3A_17 = vector.load %arg3[%get3A_14, %get3A_15, %get3A_16] : memref<2x400x128xf32, #tpu.memory_space<vmem>>, vector<1x400x128xf32>
    %get3A_18 = vector.shape_cast %get3A_17 : vector<1x400x128xf32> to vector<400x128xf32>
    %add3A_19 = arith.addf %add3A, %get3A_18 : vector<400x128xf32>
    %mul3A = arith.mulf %get3A_3, %add3A_19 : vector<400x128xf32>
    %get3A_20 = arith.constant 0 : index
    %get3A_21 = arith.constant 0 : index
    %get3A_22 = arith.constant 0 : index
    %get3A_23 = vector.load %arg2[%get3A_20, %get3A_21, %get3A_22] : memref<2x400x128xf32, #tpu.memory_space<vmem>>, vector<1x400x128xf32>
    %get3A_24 = vector.shape_cast %get3A_23 : vector<1x400x128xf32> to vector<400x128xf32>
    %get3A_25 = arith.constant 1 : index
    %get3A_26 = arith.constant 0 : index
    %get3A_27 = arith.constant 0 : index
    %get3A_28 = vector.load %arg2[%get3A_25, %get3A_26, %get3A_27] : memref<2x400x128xf32, #tpu.memory_space<vmem>>, vector<1x400x128xf32>
    %get3A_29 = vector.shape_cast %get3A_28 : vector<1x400x128xf32> to vector<400x128xf32>
    %add3A_30 = arith.addf %get3A_24, %get3A_29 : vector<400x128xf32>
    %get3A_31 = arith.constant 1 : index
    %get3A_32 = arith.constant 0 : index
    %get3A_33 = arith.constant 0 : index
    %get3A_34 = vector.load %arg3[%get3A_31, %get3A_32, %get3A_33] : memref<2x400x128xf32, #tpu.memory_space<vmem>>, vector<1x400x128xf32>
    %get3A_35 = vector.shape_cast %get3A_34 : vector<1x400x128xf32> to vector<400x128xf32>
    %add3A_36 = arith.addf %add3A_30, %get3A_35 : vector<400x128xf32>
    %mul3A_37 = arith.mulf %get3A_3, %add3A_36 : vector<400x128xf32>
    %concatenate3A = tpu.concatenate %mul3A, %mul3A_37 in 1 : vector<400x128xf32>, vector<400x128xf32> -> vector<400x256xf32>
    %get3A_38 = arith.constant 0 : index
    %get3A_39 = arith.constant 0 : index
    %get3A_40 = vector.load %arg5[%get3A_38, %get3A_39] : memref<1x256xf32, #tpu.memory_space<vmem>>, vector<1x256xf32>
    %add3A_41 = vector.broadcast %get3A_40 : vector<1x256xf32> to vector<400x256xf32>
    %add3A_42 = arith.addf %concatenate3A, %add3A_41 : vector<400x256xf32>
    %max3A = arith.constant 0.000000e+00 : f32
    %max3A_43 = vector.broadcast %max3A : f32 to vector<400x256xf32>
    %max3A_44 = arith.maximumf %add3A_42, %max3A_43 : vector<400x256xf32>
    %get3A_45 = arith.constant 0 : index
    %get3A_46 = arith.constant 0 : index
    %get3A_47 = arith.constant 0 : index
    %get3A_48 = vector.load %arg6[%get3A_45, %get3A_46, %get3A_47] : memref<1x1x400xi32, #tpu.memory_space<vmem>>, vector<1x1x400xi32>
    %get3A_49 = vector.shape_cast %get3A_48 : vector<1x1x400xi32> to vector<400xi32>
    %iota3A = tpu.iota {dimensions = array<i32: 0>} : vector<64x400xi32>
    %broadcast_in_dim3A = vector.shape_cast %get3A_49 : vector<400xi32> to vector<1x400xi32>
    %eq3A_50 = vector.broadcast %broadcast_in_dim3A : vector<1x400xi32> to vector<64x400xi32>
    %eq3A_51 = arith.cmpi eq, %eq3A_50, %iota3A : vector<64x400xi32>
    %jit3A = arith.constant 1.000000e+00 : f32
    %jit3A_52 = arith.constant 0.000000e+00 : f32
    %broadcast_in_dim3A_53 = vector.broadcast %jit3A : f32 to vector<64x400xf32>
    %broadcast_in_dim3A_54 = vector.broadcast %jit3A_52 : f32 to vector<64x400xf32>
    %select_n3A = arith.select %eq3A_51, %broadcast_in_dim3A_53, %broadcast_in_dim3A_54 : vector<64x400xi1>, vector<64x400xf32>
    %get3A_55 = arith.constant 0 : index
    %get3A_56 = arith.constant 0 : index
    %get3A_57 = vector.load %arg12[%get3A_55, %get3A_56] : memref<64x256xf32, #tpu.memory_space<vmem>>, vector<64x256xf32>
    %dot_general3A = arith.constant dense<0.000000e+00> : vector<64x256xf32>
    %dot_general3A_58 = tpu.matmul %select_n3A, %max3A_44, %dot_general3A {dimension_numbers = #tpu.dot_dimension_numbers<[1], [0], [0], [1], [0, 0, 1, 1], [], []>, transpose_lhs_hint = false} : vector<64x400xf32>, vector<400x256xf32>, vector<64x256xf32> -> vector<64x256xf32>
    %add3A_59 = arith.addf %get3A_57, %dot_general3A_58 : vector<64x256xf32>
    %swap3A = arith.constant 0 : index
    %swap3A_60 = arith.constant 0 : index
    %swap3A_61 = vector.load %arg12[%swap3A, %swap3A_60] : memref<64x256xf32, #tpu.memory_space<vmem>>, vector<64x256xf32>
    tpu.vector_store %arg12[%swap3A, %swap3A_60], %add3A_59 {strides = array<i32>} : memref<64x256xf32, #tpu.memory_space<vmem>>, vector<64x256xf32>,
    %get3A_62 = arith.constant 0 : index
    %get3A_63 = arith.constant 0 : index
    %get3A_64 = vector.load %arg13[%get3A_62, %get3A_63] : memref<64x128xf32, #tpu.memory_space<vmem>>, vector<64x128xf32>
    %reduce_sum3A = arith.constant dense<0.000000e+00> : vector<64xf32>
    %reduce_sum3A_65 = vector.multi_reduction <add>, %select_n3A, %reduce_sum3A [1] : vector<64x400xf32> to vector<64xf32>
    %broadcast_in_dim3A_66 = vector.shape_cast %reduce_sum3A_65 : vector<64xf32> to vector<64x1xf32>
    %broadcast_in_dim3A_67 = vector.shape_cast %broadcast_in_dim3A_66 : vector<64x1xf32> to vector<64x1xf32>
    %broadcast_in_dim3A_68 = vector.broadcast %broadcast_in_dim3A_67 : vector<64x1xf32> to vector<64x128xf32>
    %add3A_69 = arith.addf %get3A_64, %broadcast_in_dim3A_68 : vector<64x128xf32>
    %swap3A_70 = arith.constant 0 : index
    %swap3A_71 = arith.constant 0 : index
    %swap3A_72 = vector.load %arg13[%swap3A_70, %swap3A_71] : memref<64x128xf32, #tpu.memory_space<vmem>>, vector<64x128xf32>
    tpu.vector_store %arg13[%swap3A_70, %swap3A_71], %add3A_69 {strides = array<i32>} : memref<64x128xf32, #tpu.memory_space<vmem>>, vector<64x128xf32>,
    %eq3A_73 = arith.constant 24 : i32
    %eq3A_74 = arith.cmpi eq, %arg0, %eq3A_73 : i32
    %convert_element_type3A_75 = arith.extui %eq3A_74 : i1 to i32
    %cond3A_76 = arith.constant 0 : i32
    %cond3A_77 = arith.cmpi ne, %convert_element_type3A_75, %cond3A_76 : i32
    scf.if %cond3A_77 {
      %get3A_78 = arith.constant 0 : index
      %get3A_79 = arith.constant 0 : index
      %get3A_80 = vector.load %arg13[%get3A_78, %get3A_79] : memref<64x128xf32, #tpu.memory_space<vmem>>, vector<64x1xf32>
      %max3A_81 = arith.constant 1.000000e+00 : f32
      %max3A_82 = vector.broadcast %max3A_81 : f32 to vector<64x1xf32>
      %max3A_83 = arith.maximumf %get3A_80, %max3A_82 : vector<64x1xf32>
      %get3A_84 = arith.constant 0 : index
      %get3A_85 = arith.constant 0 : index
      %get3A_86 = vector.load %arg12[%get3A_84, %get3A_85] : memref<64x256xf32, #tpu.memory_space<vmem>>, vector<64x256xf32>
      %div3A = vector.broadcast %max3A_83 : vector<64x1xf32> to vector<64x256xf32>
      %div3A_87 = arith.divf %get3A_86, %div3A : vector<64x256xf32>
      %get3A_88 = arith.constant 0 : index
      %get3A_89 = arith.constant 0 : index
      %get3A_90 = vector.load %arg7[%get3A_88, %get3A_89] : memref<256x512xf32, #tpu.memory_space<vmem>>, vector<256x512xf32>
      %dot_general3A_91 = arith.constant dense<0.000000e+00> : vector<64x512xf32>
      %dot_general3A_92 = tpu.matmul %div3A_87, %get3A_90, %dot_general3A_91 {dimension_numbers = #tpu.dot_dimension_numbers<[1], [0], [0], [1], [0, 0, 1, 1], [], []>, transpose_lhs_hint = false} : vector<64x256xf32>, vector<256x512xf32>, vector<64x512xf32> -> vector<64x512xf32>
      %get3A_93 = arith.constant 0 : index
      %get3A_94 = arith.constant 0 : index
      %get3A_95 = vector.load %arg8[%get3A_93, %get3A_94] : memref<1x512xf32, #tpu.memory_space<vmem>>, vector<1x512xf32>
      %add3A_96 = vector.broadcast %get3A_95 : vector<1x512xf32> to vector<64x512xf32>
      %add3A_97 = arith.addf %dot_general3A_92, %add3A_96 : vector<64x512xf32>
      %max3A_98 = arith.constant 0.000000e+00 : f32
      %max3A_99 = vector.broadcast %max3A_98 : f32 to vector<64x512xf32>
      %max3A_100 = arith.maximumf %add3A_97, %max3A_99 : vector<64x512xf32>
      %get3A_101 = arith.constant 0 : index
      %get3A_102 = arith.constant 0 : index
      %get3A_103 = vector.load %arg9[%get3A_101, %get3A_102] : memref<512x10xf32, #tpu.memory_space<vmem>>, vector<512x10xf32>
      %dot_general3A_104 = arith.constant dense<0.000000e+00> : vector<64x10xf32>
      %dot_general3A_105 = tpu.matmul %max3A_100, %get3A_103, %dot_general3A_104 {dimension_numbers = #tpu.dot_dimension_numbers<[1], [0], [0], [1], [0, 0, 1, 1], [], []>, transpose_lhs_hint = false} : vector<64x512xf32>, vector<512x10xf32>, vector<64x10xf32> -> vector<64x10xf32>
      %get3A_106 = arith.constant 0 : index
      %get3A_107 = arith.constant 0 : index
      %get3A_108 = vector.load %arg10[%get3A_106, %get3A_107] : memref<1x10xf32, #tpu.memory_space<vmem>>, vector<1x10xf32>
      %add3A_109 = vector.broadcast %get3A_108 : vector<1x10xf32> to vector<64x10xf32>
      %add3A_110 = arith.addf %dot_general3A_105, %add3A_109 : vector<64x10xf32>
      %swap3A_111 = arith.constant 0 : index
      %swap3A_112 = arith.constant 0 : index
      %swap3A_113 = vector.load %arg11[%swap3A_111, %swap3A_112] : memref<64x10xf32, #tpu.memory_space<vmem>>, vector<64x10xf32>
      tpu.vector_store %arg11[%swap3A_111, %swap3A_112], %add3A_110 {strides = array<i32>} : memref<64x10xf32, #tpu.memory_space<vmem>>, vector<64x10xf32>,
    } else {
    }
    return
  }
  func.func @transform_0(%arg0: i32) -> (i32, i32, i32) {
    %c0_i32 = arith.constant 0 : i32
    %c0_i32_0 = arith.constant 0 : i32
    %c0_i32_1 = arith.constant 0 : i32
    return %c0_i32, %arg0, %c0_i32_0 : i32, i32, i32
  }
  func.func @transform_1(%arg0: i32) -> (i32, i32, i32) {
    %c0_i32 = arith.constant 0 : i32
    %c0_i32_0 = arith.constant 0 : i32
    %c0_i32_1 = arith.constant 0 : i32
    return %c0_i32, %arg0, %c0_i32_0 : i32, i32, i32
  }
  func.func @transform_2(%arg0: i32) -> (i32, i32, i32) {
    %c0_i32 = arith.constant 0 : i32
    %c0_i32_0 = arith.constant 0 : i32
    %c0_i32_1 = arith.constant 0 : i32
    return %c0_i32, %arg0, %c0_i32_0 : i32, i32, i32
  }
  func.func @transform_3(%arg0: i32) -> (i32, i32) {
    %c0_i32 = arith.constant 0 : i32
    %c0_i32_0 = arith.constant 0 : i32
    return %arg0, %c0_i32 : i32, i32
  }
  func.func @transform_4(%arg0: i32) -> (i32, i32) {
    %c0_i32 = arith.constant 0 : i32
    %c0_i32_0 = arith.constant 0 : i32
    %c0_i32_1 = arith.constant 0 : i32
    return %c0_i32, %c0_i32_0 : i32, i32
  }
  func.func @transform_5(%arg0: i32) -> (i32, i32, i32) {
    %c0_i32 = arith.constant 0 : i32
    %c0_i32_0 = arith.constant 0 : i32
    %c0_i32_1 = arith.constant 0 : i32
    return %arg0, %c0_i32, %c0_i32_0 : i32, i32, i32
  }
  func.func @transform_6(%arg0: i32) -> (i32, i32) {
    %c0_i32 = arith.constant 0 : i32
    %c0_i32_0 = arith.constant 0 : i32
    %c0_i32_1 = arith.constant 0 : i32
    return %c0_i32, %c0_i32_0 : i32, i32
  }
  func.func @transform_7(%arg0: i32) -> (i32, i32) {
    %c0_i32 = arith.constant 0 : i32
    %c0_i32_0 = arith.constant 0 : i32
    %c0_i32_1 = arith.constant 0 : i32
    return %c0_i32, %c0_i32_0 : i32, i32
  }
  func.func @transform_8(%arg0: i32) -> (i32, i32) {
    %c0_i32 = arith.constant 0 : i32
    %c0_i32_0 = arith.constant 0 : i32
    %c0_i32_1 = arith.constant 0 : i32
    return %c0_i32, %c0_i32_0 : i32, i32
  }
  func.func @transform_9(%arg0: i32) -> (i32, i32) {
    %c0_i32 = arith.constant 0 : i32
    %c0_i32_0 = arith.constant 0 : i32
    %c0_i32_1 = arith.constant 0 : i32
    return %c0_i32, %c0_i32_0 : i32, i32
  }
  func.func @transform_10(%arg0: i32) -> (i32, i32) {
    %c0_i32 = arith.constant 0 : i32
    %c0_i32_0 = arith.constant 0 : i32
    %c0_i32_1 = arith.constant 0 : i32
    return %c0_i32, %c0_i32_0 : i32, i32
  }
}

</mosaic_0001>

<sc_bundles>
// kernel: kernel.11.cloned.1.call-start
scs
__scs_entry_jumppad:
0x0: {  	(pc) =	sbr.rel $0x88, $3  }
0x1: {  	(tag) =	ssettag $0x0;
	lr =	simm.s32 $0x1  }
0x2: {  	[smem:$0x3F94] =	sst lr;
	_ =	strace $0xD0000000  }
0x3: {  	_ = 	snop  }
0x4: {  	_ = 	snop  }
0x5: {  	_ = 	snop  }
0x6: {  	_ = 	snop  }
0x7: {  	_ = 	snop  }
__scs_overlays_trampoline_lowered:
0x8: {  	[smem:$0x3FA3] =	sst s0  }
0x9: {  	[smem:$0x3FA4] =	sst s1  }
0xa: {  	[smem:$0x3FA5] =	sst s2  }
0xb: {  	[smem:$0x3FA6] =	sst s3  }
0xc: {  	[smem:$0x3FA7] =	sst s4  }
0xd: {  	[smem:$0x3FA8] =	sst s5  }
0xe: {  	[smem:$0x3FA9] =	sst s6  }
0xf: {  	[smem:$0x3FAA] =	sst s7  }
0x10: {  	[smem:$0x3FAB] =	sst s8  }
0x11: {  	[smem:$0x3FAC] =	sst s9;
	s0 =	simm.s32 @!p0 $0x0  }
0x12: {  	s1 =	sld [smem:$0x3F92];
	s0 =	simm.s32 @p0 $0x1  }
0x13: {  	[smem:$0x3FAD] =	sst s0;
	s0 =	simm.s32 @!p1 $0x0  }
0x14: {  	s2 =	sld [smem:$0x3F91];
	s0 =	simm.s32 @p1 $0x1  }
0x15: {  	[smem:$0x3FAE] =	sst s0;
	s0 =	simm.s32 @!p2 $0x0  }
0x16: {  	s3 =	sld [smem:$0x3FDB];
	s0 =	simm.s32 @p2 $0x1  }
0x17: {  	s4 =	simm.s32 $0x1BF5;
	[smem:$0x3FB0] =	sst s0  }
0x18: {  	s0 =	sld [smem:$0x3F93];
	_ =	swait.ge [sflag:s4], $0x0  }
0x19: {  	s7 =	sld [smem:$0x3F94]  }
0x1a: {  	s8 =	sadd.s32 $0xFFFFE003, lr  }
0x1b: {  	s9 =	sadd.s32 $0xFFFFFEF7, lr;
	s5 =	simm.s32 $0xFFFFFFFF;
	p2 =	slt.u32 s8, $0xFFFFF086  }
0x1c: {  	p1 =	slt.u32 s9, $0xF7A;
	s5 =	simm.s32 @!p2 $0x0  }
0x1d: {  	s5 =	simm.s32 @p1 $0x1;
	p0 =	seq.s32 s7, s2  }
0x1e: {  	s7 =	smul.u32 @!p0 $0xF7A, s2;
	p2 =	seq.s32 @!p0 s5, $0x0  }
0x1f: {  	s9 =	smul.u32 $0xF7A, s1;
	s8 =	simm.s32 @!p0 $0x1BF5;
	p2 =	por !p2, p0  }
0x20: {  	[sflag:s8] =	ssyncset.s32 @!p0 $0xFFFFF086;
	s6 =	sadd.s32 @!p0 s3, s7;
	s7 =	simm.s32 @!p0 $0x108  }
0x21: {  	s3 =	sadd.s32 s3, s9;
	s6 =	sadd.s32 @!p0 $0x88, s6;
	s7 =	simm.s32 @p2 $0x1082  }
0x22: {  	[simem:s7], [sflag:s8] =	dma.local @!p0 [hbm:s6], $0xF7A  }
0x23: {  	s9 =	sor.u32 $0xD0000000, s2;
	s6 =	simm.s32 $0x108;
	_ =	swait.ge @!p0 [sflag:s8], $0x0  }
0x24: {  	s3 =	sadd.s32 $0x88, s3;
	s6 =	simm.s32 @!p1 $0x1082;
	[sflag:s4] =	ssyncset.s32 $0xFFFFF086  }
0x25: {  	[simem:s6], [sflag:s4] =	dma.local [hbm:s3], $0xF7A  }
0x26: {  	[smem:$0x3F94] =	sst s1;
	(tag) =	ssettag s2;
	_ =	strace s9  }
0x27: {  	s1 =	sld [smem:$0x3FA4]  }
0x28: {  	s2 =	sld [smem:$0x3FA5]  }
0x29: {  	s4 =	sld [smem:$0x3FA7]  }
0x2a: {  	p0 =	seq.s32 s5, $0x0;
	s5 =	sld [smem:$0x3FA8]  }
0x2b: {  	s6 =	sld [smem:$0x3FA9]  }
0x2c: {  	s7 =	sld [smem:$0x3FAA]  }
0x2d: {  	s3 =	simm.s32 $0x108;
	s8 =	sld [smem:$0x3FAB]  }
0x2e: {  	s3 =	simm.s32 @!p0 $0x1082;
	s9 =	sld [smem:$0x3FAC]  }
0x2f: {  	lr =	sadd.s32 s0, s3;
	s0 =	sld [smem:$0x3FA3]  }
0x30: {  	s3 =	sld [smem:$0x3FA6]  }
0x31: {  	[smem:$0x3FAF] =	sst s10  }
0x32: {  	s10 =	sld [smem:$0x3FAD];
	_ =	sdelay $0x3  }
0x33: {  	p0 =	seq.s32 s10, $0x1;
	s10 =	sld [smem:$0x3FAF];
	_ =	sdelay $0x3  }
0x34: {  	[smem:$0x3FAF] =	sst s10  }
0x35: {  	s10 =	sld [smem:$0x3FAE];
	_ =	sdelay $0x3  }
0x36: {  	p1 =	seq.s32 s10, $0x1;
	s10 =	sld [smem:$0x3FAF];
	_ =	sdelay $0x3  }
0x37: {  	[smem:$0x3FAF] =	sst s10  }
0x38: {  	s10 =	sld [smem:$0x3FB0]  }
0x39: {  	_ = 	snop;
	(pc) =	sbr.ind lr, $3  }
0x3a: {  	_ = 	snop  }
0x3b: {  	_ = 	snop  }
0x3c: {  	p2 =	seq.s32 s10, $0x1;
	s10 =	sld [smem:$0x3FAF]  }
0x3d: {  	_ =	shalt  }
0x3e: {  	_ =	shalt  }
0x3f: {  	_ =	shalt  }
0x40: {  	_ =	shalt  }
0x41: {  	_ =	shalt  }
0x42: {  	_ =	shalt  }
0x43: {  	_ =	shalt  }
0x44: {  	_ =	shalt  }
0x45: {  	_ =	shalt  }
0x46: {  	_ =	shalt  }
0x47: {  	_ =	shalt  }
0x48: {  	_ =	shalt  }
0x49: {  	_ =	shalt  }
0x4a: {  	_ =	shalt  }
0x4b: {  	_ =	shalt  }
0x4c: {  	_ =	shalt  }
0x4d: {  	_ =	shalt  }
0x4e: {  	_ =	shalt  }
0x4f: {  	_ =	shalt  }
0x50: {  	_ =	shalt  }
0x51: {  	_ =	shalt  }
0x52: {  	_ =	shalt  }
0x53: {  	_ =	shalt  }
0x54: {  	_ =	shalt  }
0x55: {  	_ =	shalt  }
0x56: {  	_ =	shalt  }
0x57: {  	_ =	shalt  }
0x58: {  	_ =	shalt  }
0x59: {  	_ =	shalt  }
0x5a: {  	_ =	shalt  }
0x5b: {  	_ =	shalt  }
0x5c: {  	_ =	shalt  }
0x5d: {  	_ =	shalt  }
0x5e: {  	_ =	shalt  }
0x5f: {  	_ =	shalt  }
0x60: {  	_ =	shalt  }
0x61: {  	_ =	shalt  }
0x62: {  	_ =	shalt  }
0x63: {  	_ =	shalt  }
0x64: {  	_ =	shalt  }
0x65: {  	_ =	shalt  }
0x66: {  	_ =	shalt  }
0x67: {  	_ =	shalt  }
0x68: {  	_ =	shalt  }
0x69: {  	_ =	shalt  }
0x6a: {  	_ =	shalt  }
0x6b: {  	_ =	shalt  }
0x6c: {  	_ =	shalt  }
0x6d: {  	_ =	shalt  }
0x6e: {  	_ =	shalt  }
0x6f: {  	_ =	shalt  }
0x70: {  	_ =	shalt  }
0x71: {  	_ =	shalt  }
0x72: {  	_ =	shalt  }
0x73: {  	_ =	shalt  }
0x74: {  	_ =	shalt  }
0x75: {  	_ =	shalt  }
0x76: {  	_ =	shalt  }
0x77: {  	_ =	shalt  }
0x78: {  	_ =	shalt  }
0x79: {  	_ =	shalt  }
0x7a: {  	_ =	shalt  }
0x7b: {  	_ =	shalt  }
0x7c: {  	_ =	shalt  }
0x7d: {  	_ =	shalt  }
0x7e: {  	_ =	shalt  }
0x7f: {  	_ =	shalt  }
0x80: {  	_ =	shalt  }
0x81: {  	_ =	shalt  }
0x82: {  	_ =	shalt  }
0x83: {  	_ =	shalt  }
0x84: {  	_ =	shalt  }
0x85: {  	_ =	shalt  }
0x86: {  	_ =	shalt  }
0x87: {  	_ =	shalt  }
.Lfunc_end0:
.L_simem_size_0:
called_computation_lowered:
.L_overlay_start_0:
0x88: {  	s2 =	sld [smem:$0x3FD9]  }
0x89: {  	s3 =	sld [smem:$0x3FFE];
	_ =	sdelay $0x1  }
0x8a: {  	s1 =	srdreg.scid  }
0x8b: {  	s0 =	sand.u32 $0x1, s1  }
0x8c: {  	s16 =	sshll.u32 s0, $0xA;
	s2 =	sadd.s32 s3, s2  }
0x8d: {  	s2 =	sadd.s32 s2, s16  }
0x8e: {  	[smem:$0x3FBB] =	sst s2  }
0x8f: {  	_ = 	snop  }
0x90: {  	(tm) =	ssettm $0x1  }
0x91: {  	s17 =	sld [smem:$0x3FFB];
	_ =	sdelay $0x3  }
0x92: {  	_ =	strace s17  }
0x93: {  	s2 =	sld [smem:$0x3FFC];
	_ =	sdelay $0x3  }
0x94: {  	_ =	strace s2  }
0x95: {  	s2 =	sld [smem:$0x3FFD];
	_ =	sdelay $0x3  }
0x96: {  	_ =	strace s2  }
0x97: {  	_ =	strace $0x8FFFFFFF  }
0x98: {  	s18 =	sld [smem:$0x3FDB];
	_ =	sdelay $0x1  }
0x99: {  	s19 =	simm.s32 $_scs_section_size  }
0x9a: {  	s4 =	simm.s32 $_size__tile_overlayer_lowered;
	s5 =	simm.s32 $_tile_overlayer_lowered  }
0x9b: {  	s22 =	simm.s32 $0x1BFF;
	s21 =	sshll.u32 s5, $0x1;
	s2 =	sadd.s32 s19, s18  }
0x9c: {  	s6 =	simm.s32 $0x0;
	s20 =	sshll.u32 s4, $0x1;
	s4 =	sadd.s32 s21, s2  }
0x9d: {  	[timem:s6], [sflag:s22] =	dma.local [hbm:s4], s20  }
0x9e: {  	_ =	swait.ge [sflag:s22], s20  }
0x9f: {  	s3 =	ssub.s32 $0x0, s20;
	[sflag:s22] =	ssyncset.done $0x0  }
0xa0: {  	[sflag:s22] =	ssyncadd.s32 s3;
	_ =	sdelay $0x1  }
0xa1: {  	s23 =	simm.s32 $0x1B8B  }
0xa2: {  	_ =	swait.ge [sflag:s23], $0x1  }
0xa3: {  	[sflag:s23] =	ssyncset.done $0x0  }
0xa4: {  	s25 =	simm.s32 $0x1B8E;
	s24 =	sld [smem:$0x3FFE];
	[sflag:s23] =	ssyncadd.s32 $0xFFFFFFFF  }
0xa5: {  	s26 =	simm.s32 $execute0_lowered;
	[smem:$0x3FD2] =	sst s25  }
0xa6: {  	s4 =	sshll.u32 s26, $0x1;
	_ =	strace $0x80000046;
	[dreg:$0x1] =	wrdreg $0xFFFFFFFF  }
0xa7: {  	s28 =	simm.s32 $_size_execute0_lowered;
	s2 =	sadd.s32 s2, s4;
	[dreg:$0x0] =	wrdreg $0x0  }
0xa8: {  	s4 =	sshll.u32 s28, $0x1;
	[dreg:$0x2] =	wrdreg s2  }
0xa9: {  	[dreg:$0x3] =	wrdreg s4  }
0xaa: {  	[dreg:$0x4] =	wrdreg $0xC0  }
0xab: {  	_ =	task [dreg:s6], $0x5FFFF  }
0xac: {  	[dreg:$0x1] =	wrdreg $0xFFFFFFFF  }
0xad: {  	[dreg:$0x0] =	wrdreg $0x60  }
0xae: {  	[dreg:$0x2] =	wrdreg s24  }
0xaf: {  	[dreg:$0x3] =	wrdreg $0x68000  }
0xb0: {  	[dreg:$0x4] =	wrdreg $0x9  }
0xb1: {  	_ =	task.clear_ibuf [dreg:s6], $0x5FFFF;
	_ =	strace $0x90000046  }
0xb2: {  	s29 =	simm.s32 $0x9;
	_ =	strace $0x80000048  }
0xb3: {  	_ =	swait.ge [sflag:s29], $0x1  }
0xb4: {  	[sflag:s29] =	ssyncadd.s32 $0xFFFFFFFF  }
0xb5: {  	_ =	strace $0x90000048  }
0xb6: {  	_ =	sfence  }
0xb7: {  	s30 =	sld [smem:$0x0];
	_ =	sdelay $0x2  }
0xb8: {  	s31 =	sshll.u32 s1, $0xD;
	s1 =	sshrl.u32 s1, $0x2  }
0xb9: {  	s3 =	sand.u32 $0x4000, s31;
	s1 =	sadd.s32 s1, s30  }
0xba: {  	s0 =	sor.u32 s3, s0;
	s1 =	sshll.u32 s1, $0x11  }
0xbb: {  	s0 =	sor.u32 s1, s0  }
0xbc: {  	s0 =	sadd.s32 $0x8F2B, s0  }
0xbd: {  	[sflag:s0] =	ssyncadd.remote.s32 $0x1  }
0xbe: {  	_ =	sfence.sel $0xFFFF  }
0xbf: {  	[dreg:$0x0] =	wrdreg $0xFFFFFFFF;
	(pc) =	sbr.abs _section_cstart, $3  }
0xc0: {  	[dreg:$0x1] =	wrdreg $0xFFFFFFFF  }
0xc1: {  	_ =	task.clear_ibuf [dreg:s6], $0x2FFFF;
	_ =	strace $0x9FFFFFFF  }
0xc2: {  	(tm) =	ssettm $0x7FFFFFFF  }
0xc3: {  	_ =	shalt  }
tec
execute0_lowered:
.L_overlay_start_1:
0x0: {  	(tag) =	ssettag $0x1  }
0x1: {  	s7 =	rddreg [dreg:$0x0]  }
0x2: {  	s0 =	srdreg.scid;
	s2 =	rddreg [dreg:$0x1]  }
0x3: {  	s3 =	simm.s32 $0x0;
	s13 =	simm.s32 $0x80;
	s6 =	sand.u32 $0x1, s0  }
0x4: {  	s14 =	simm.s32 $0x0;
	s0 =	stileid.u32;
	s5 =	smul.u32 $0x140000, s6  }
0x5: {  	[smem:$0x7FF] =	sst s3;
	s1 =	sshll.u32 s6, $0x4;
	s8 =	smul.u32 $0x14000, s0  }
0x6: {  	s10 =	smul.u32 $0x50000, s0;
	s6 =	ssub.s32 $0x2, s6;
	s11 =	sshll.u32 s0, $0x6  }
0x7: {  	s1 =	sor.u32 s0, s1;
	s31 =	sshrl.u32 s6, $0x1;
	s11 =	sor.u32 $0x1C01, s11  }
0x8: {  	s4 =	smul.u32 $0x500, s1;
	s1 =	rddreg [dreg:$0x2];
	_ =	strace $0x80000047  }
0x9: {  	s8 =	sadd.s32 s8, s5;
	s5 =	sadd.s32 $0xDC00, s7;
	s10 =	sshrl.u32 s10, $0x2  }
0xa: {  	s8 =	sshrl.u32 s8, $0x3;
	s12 =	sadd.s32 s10, s2;
	s10 =	simm.s32 $0x2800  }
0xb: {  	s9 =	sadd.s32 s4, s7;
	s4 =	sadd.s32 $0x10400, s7;
	s7 =	sadd.s32 s8, s7  }
0xc: {  	s8 =	ssub.s32 s6, s31;
	s12 =	sshrl.u32 s12, $0x3;
	s6 =	sadd.s32 $0x3C00, s9  }
0xd: {  	s7 =	sadd.s32 $0x10C00, s7;
	s8 =	smax.u32 s8, $0x1;
	s9 =	simm.s32 $0x1  }
.LBB2_1:
0xe: {  	[tilespmem:s3], [sflag:$0x1] =	stream.linear.gather [hbm4b:s6+s3], $0x2800, $0x38;
	[tilespmem:$0x1A800] =	vst v63  }
0xf: {  	_ =	swait.ge [sflag:s9], $0x2800  }
0x10: {  	[sflag:s9] =	ssyncset.done $0x0  }
0x11: {  	[sflag:s9] =	ssyncadd.s32 $0xFFFFD800  }
0x12: {  	[tilespmem:s10], [sflag:$0x1] =	stream.linear.gather [hbm4b:s4+s3], $0x4000, $0x38;
	[tilespmem:$0x1A800] =	vst v63  }
0x13: {  	_ =	swait.ge [sflag:s9], $0x4000  }
0x14: {  	[sflag:s9] =	ssyncset.done $0x0  }
0x15: {  	[sflag:s9] =	ssyncadd.s32 $0xFFFFC000  }
0x16: {  	[spmem:s12], [sflag:s11] =	dma.local [hbm:s5], $0x2800  }
0x17: {  	_ =	swait.ge [sflag:s9], $0x2800  }
0x18: {  	[sflag:s9] =	ssyncset.done $0x0  }
0x19: {  	[sflag:s9] =	ssyncadd.s32 $0xFFFFD800  }
0x1a: {  	s15 =	simm.s32 $0x0;
	[bflag:$0x0] =	sbarrier.arrive $0xFFFF  }
0x1b: {  	[spmem:s2] =	stream.indirect.scatter.add.f32 [tilespmem:s10], [sflag:$0x1], $0x80, s15, s13, $0xb8;
	[tilespmem:$0x1A800] =	vst v63  }
0x1c: {  	_ =	swait.ge [sflag:s9], $0x4000  }
0x1d: {  	s15 =	simm.s32 $0x200;
	[sflag:s9] =	ssyncset.done $0x0  }
.LBB2_2:
0x1e: {  	s16 =	sshra.s32 s15, $0x2;
	[sflag:s9] =	ssyncadd.s32 $0xFFFFC000;
	p0 =	sne.s32 s15, $0x9E00  }
0x1f: {  	[spmem:s2] =	stream.indirect.scatter.add.f32 [tilespmem:s10], [sflag:$0x1], $0x80, s16, s13, $0xb8;
	[tilespmem:$0x1A800] =	vst v63  }
.Ltmp0:
0x20: {  	_ = 	snop;
	(pc) =	sbr.rel @p0 .LBB2_2-.Ltmp0, $4  }
0x21: {  	_ = 	snop  }
0x22: {  	s15 =	sadd.s32 $0x200, s15  }
0x23: {  	_ =	swait.ge [sflag:s9], $0x4000  }
0x24: {  	[sflag:s9] =	ssyncset.done $0x0  }
0x25: {  	s14 =	sadd.s32 $0x1, s14  }
0x26: {  	[sflag:s9] =	ssyncadd.s32 $0xFFFFC000;
	p0 =	sne.s32 s14, s8  }
.Ltmp1:
0x27: {  	[bflag:$0x0] =	sbarrier.arrive $0xFFFF;
	(pc) =	sbr.rel @p0 .LBB2_1-.Ltmp1, $4  }
0x28: {  	[hbm:s7], [sflag:s11] =	dma.local [spmem:s12], $0x2800  }
0x29: {  	_ =	swait.ge [sflag:s9], $0x2800  }
0x2a: {  	[sflag:s9] =	ssyncset.done $0x0  }
0x2b: {  	[sflag:s9] =	ssyncadd.s32 $0xFFFFD800  }
0x2c: {  	_ =	sfence.sel $0x180000  }
0x2d: {  	[bflag:$0x0] =	sbarrier.arrive $0xFFFF  }
0x2e: {  	p0 =	sne.s32 s0, $0x0;
	_ =	strace $0x90000047  }
0x2f: {  	s0 =	sadd.s32 @!p0 $0x100000, s1;
	[bflag:$0x2] =	sbarrier.arrive $0xFFFF  }
0x30: {  	[sflag:s0] =	ssyncadd.tile.s32 @!p0 $0x1;
	_ =	shalt  }
.Lfunc_end2:
_tile_overlayer_lowered:
.L_overlay_start_2:
0x31: {  	(tag) =	ssettag $0x2  }
0x32: {  	s0 =	rddreg [dreg:$0x0];
	s2 =	stileid.u32  }
0x33: {  	s1 =	rddreg [dreg:$0x1];
	p0 =	sne.s32 s2, $0x0  }
0x34: {  	s3 =	rddreg [dreg:$0x2];
	[bflag:$0x3] =	sbarrier.arrive $0xFFFF;
	s2 =	simm.s32 @!p0 $0x1C01  }
0x35: {  	[timem:s3], [sflag:s2] =	dma.local @!p0 [hbm:s0], s1  }
0x36: {  	s0 =	simm.s32 @!p0 $0x1  }
0x37: {  	_ =	swait.ge @!p0 [sflag:s0], s1  }
0x38: {  	s1 =	ssub.s32 @!p0 $0x0, s1;
	[sflag:s0] =	ssyncset.done @!p0 $0x0  }
0x39: {  	[sflag:s0] =	ssyncadd.s32 @!p0 s1  }
0x3a: {  	[bflag:$0x3] =	sbarrier.arrive $0xFFFF  }
0x3b: {  	_ =	shalt  }

// kernel: kernel.14.cloned.1.call-start
scs
__scs_entry_jumppad:
0x0: {  	(pc) =	sbr.rel $0x88, $3  }
0x1: {  	(tag) =	ssettag $0x0;
	lr =	simm.s32 $0x1  }
0x2: {  	[smem:$0x3F94] =	sst lr;
	_ =	strace $0xD0000000  }
0x3: {  	_ = 	snop  }
0x4: {  	_ = 	snop  }
0x5: {  	_ = 	snop  }
0x6: {  	_ = 	snop  }
0x7: {  	_ = 	snop  }
__scs_overlays_trampoline_lowered:
0x8: {  	[smem:$0x3FA3] =	sst s0  }
0x9: {  	[smem:$0x3FA4] =	sst s1  }
0xa: {  	[smem:$0x3FA5] =	sst s2  }
0xb: {  	[smem:$0x3FA6] =	sst s3  }
0xc: {  	[smem:$0x3FA7] =	sst s4  }
0xd: {  	[smem:$0x3FA8] =	sst s5  }
0xe: {  	[smem:$0x3FA9] =	sst s6  }
0xf: {  	[smem:$0x3FAA] =	sst s7  }
0x10: {  	[smem:$0x3FAB] =	sst s8  }
0x11: {  	[smem:$0x3FAC] =	sst s9;
	s0 =	simm.s32 @!p0 $0x0  }
0x12: {  	s1 =	sld [smem:$0x3F92];
	s0 =	simm.s32 @p0 $0x1  }
0x13: {  	[smem:$0x3FAD] =	sst s0;
	s0 =	simm.s32 @!p1 $0x0  }
0x14: {  	s2 =	sld [smem:$0x3F91];
	s0 =	simm.s32 @p1 $0x1  }
0x15: {  	[smem:$0x3FAE] =	sst s0;
	s0 =	simm.s32 @!p2 $0x0  }
0x16: {  	s3 =	sld [smem:$0x3FDB];
	s0 =	simm.s32 @p2 $0x1  }
0x17: {  	s4 =	simm.s32 $0x1BF5;
	[smem:$0x3FB0] =	sst s0  }
0x18: {  	s0 =	sld [smem:$0x3F93];
	_ =	swait.ge [sflag:s4], $0x0  }
0x19: {  	s7 =	sld [smem:$0x3F94]  }
0x1a: {  	s8 =	sadd.s32 $0xFFFFE003, lr  }
0x1b: {  	s9 =	sadd.s32 $0xFFFFFEF7, lr;
	s5 =	simm.s32 $0xFFFFFFFF;
	p2 =	slt.u32 s8, $0xFFFFF086  }
0x1c: {  	p1 =	slt.u32 s9, $0xF7A;
	s5 =	simm.s32 @!p2 $0x0  }
0x1d: {  	s5 =	simm.s32 @p1 $0x1;
	p0 =	seq.s32 s7, s2  }
0x1e: {  	s7 =	smul.u32 @!p0 $0xF7A, s2;
	p2 =	seq.s32 @!p0 s5, $0x0  }
0x1f: {  	s9 =	smul.u32 $0xF7A, s1;
	s8 =	simm.s32 @!p0 $0x1BF5;
	p2 =	por !p2, p0  }
0x20: {  	[sflag:s8] =	ssyncset.s32 @!p0 $0xFFFFF086;
	s6 =	sadd.s32 @!p0 s3, s7;
	s7 =	simm.s32 @!p0 $0x108  }
0x21: {  	s3 =	sadd.s32 s3, s9;
	s6 =	sadd.s32 @!p0 $0x88, s6;
	s7 =	simm.s32 @p2 $0x1082  }
0x22: {  	[simem:s7], [sflag:s8] =	dma.local @!p0 [hbm:s6], $0xF7A  }
0x23: {  	s9 =	sor.u32 $0xD0000000, s2;
	s6 =	simm.s32 $0x108;
	_ =	swait.ge @!p0 [sflag:s8], $0x0  }
0x24: {  	s3 =	sadd.s32 $0x88, s3;
	s6 =	simm.s32 @!p1 $0x1082;
	[sflag:s4] =	ssyncset.s32 $0xFFFFF086  }
0x25: {  	[simem:s6], [sflag:s4] =	dma.local [hbm:s3], $0xF7A  }
0x26: {  	[smem:$0x3F94] =	sst s1;
	(tag) =	ssettag s2;
	_ =	strace s9  }
0x27: {  	s1 =	sld [smem:$0x3FA4]  }
0x28: {  	s2 =	sld [smem:$0x3FA5]  }
0x29: {  	s4 =	sld [smem:$0x3FA7]  }
0x2a: {  	p0 =	seq.s32 s5, $0x0;
	s5 =	sld [smem:$0x3FA8]  }
0x2b: {  	s6 =	sld [smem:$0x3FA9]  }
0x2c: {  	s7 =	sld [smem:$0x3FAA]  }
0x2d: {  	s3 =	simm.s32 $0x108;
	s8 =	sld [smem:$0x3FAB]  }
0x2e: {  	s3 =	simm.s32 @!p0 $0x1082;
	s9 =	sld [smem:$0x3FAC]  }
0x2f: {  	lr =	sadd.s32 s0, s3;
	s0 =	sld [smem:$0x3FA3]  }
0x30: {  	s3 =	sld [smem:$0x3FA6]  }
0x31: {  	[smem:$0x3FAF] =	sst s10  }
0x32: {  	s10 =	sld [smem:$0x3FAD];
	_ =	sdelay $0x3  }
0x33: {  	p0 =	seq.s32 s10, $0x1;
	s10 =	sld [smem:$0x3FAF];
	_ =	sdelay $0x3  }
0x34: {  	[smem:$0x3FAF] =	sst s10  }
0x35: {  	s10 =	sld [smem:$0x3FAE];
	_ =	sdelay $0x3  }
0x36: {  	p1 =	seq.s32 s10, $0x1;
	s10 =	sld [smem:$0x3FAF];
	_ =	sdelay $0x3  }
0x37: {  	[smem:$0x3FAF] =	sst s10  }
0x38: {  	s10 =	sld [smem:$0x3FB0]  }
0x39: {  	_ = 	snop;
	(pc) =	sbr.ind lr, $3  }
0x3a: {  	_ = 	snop  }
0x3b: {  	_ = 	snop  }
0x3c: {  	p2 =	seq.s32 s10, $0x1;
	s10 =	sld [smem:$0x3FAF]  }
0x3d: {  	_ =	shalt  }
0x3e: {  	_ =	shalt  }
0x3f: {  	_ =	shalt  }
0x40: {  	_ =	shalt  }
0x41: {  	_ =	shalt  }
0x42: {  	_ =	shalt  }
0x43: {  	_ =	shalt  }
0x44: {  	_ =	shalt  }
0x45: {  	_ =	shalt  }
0x46: {  	_ =	shalt  }
0x47: {  	_ =	shalt  }
0x48: {  	_ =	shalt  }
0x49: {  	_ =	shalt  }
0x4a: {  	_ =	shalt  }
0x4b: {  	_ =	shalt  }
0x4c: {  	_ =	shalt  }
0x4d: {  	_ =	shalt  }
0x4e: {  	_ =	shalt  }
0x4f: {  	_ =	shalt  }
0x50: {  	_ =	shalt  }
0x51: {  	_ =	shalt  }
0x52: {  	_ =	shalt  }
0x53: {  	_ =	shalt  }
0x54: {  	_ =	shalt  }
0x55: {  	_ =	shalt  }
0x56: {  	_ =	shalt  }
0x57: {  	_ =	shalt  }
0x58: {  	_ =	shalt  }
0x59: {  	_ =	shalt  }
0x5a: {  	_ =	shalt  }
0x5b: {  	_ =	shalt  }
0x5c: {  	_ =	shalt  }
0x5d: {  	_ =	shalt  }
0x5e: {  	_ =	shalt  }
0x5f: {  	_ =	shalt  }
0x60: {  	_ =	shalt  }
0x61: {  	_ =	shalt  }
0x62: {  	_ =	shalt  }
0x63: {  	_ =	shalt  }
0x64: {  	_ =	shalt  }
0x65: {  	_ =	shalt  }
0x66: {  	_ =	shalt  }
0x67: {  	_ =	shalt  }
0x68: {  	_ =	shalt  }
0x69: {  	_ =	shalt  }
0x6a: {  	_ =	shalt  }
0x6b: {  	_ =	shalt  }
0x6c: {  	_ =	shalt  }
0x6d: {  	_ =	shalt  }
0x6e: {  	_ =	shalt  }
0x6f: {  	_ =	shalt  }
0x70: {  	_ =	shalt  }
0x71: {  	_ =	shalt  }
0x72: {  	_ =	shalt  }
0x73: {  	_ =	shalt  }
0x74: {  	_ =	shalt  }
0x75: {  	_ =	shalt  }
0x76: {  	_ =	shalt  }
0x77: {  	_ =	shalt  }
0x78: {  	_ =	shalt  }
0x79: {  	_ =	shalt  }
0x7a: {  	_ =	shalt  }
0x7b: {  	_ =	shalt  }
0x7c: {  	_ =	shalt  }
0x7d: {  	_ =	shalt  }
0x7e: {  	_ =	shalt  }
0x7f: {  	_ =	shalt  }
0x80: {  	_ =	shalt  }
0x81: {  	_ =	shalt  }
0x82: {  	_ =	shalt  }
0x83: {  	_ =	shalt  }
0x84: {  	_ =	shalt  }
0x85: {  	_ =	shalt  }
0x86: {  	_ =	shalt  }
0x87: {  	_ =	shalt  }
.Lfunc_end0:
.L_simem_size_0:
called_computation.1_lowered:
.L_overlay_start_0:
0x88: {  	s2 =	sld [smem:$0x3FD9]  }
0x89: {  	s3 =	sld [smem:$0x3FFE];
	_ =	sdelay $0x1  }
0x8a: {  	s1 =	srdreg.scid  }
0x8b: {  	s0 =	sand.u32 $0x1, s1  }
0x8c: {  	s16 =	sshll.u32 s0, $0xA;
	s2 =	sadd.s32 s3, s2  }
0x8d: {  	s2 =	sadd.s32 s2, s16  }
0x8e: {  	[smem:$0x3FBB] =	sst s2  }
0x8f: {  	_ = 	snop  }
0x90: {  	(tm) =	ssettm $0x1  }
0x91: {  	s17 =	sld [smem:$0x3FFB];
	_ =	sdelay $0x3  }
0x92: {  	_ =	strace s17  }
0x93: {  	s2 =	sld [smem:$0x3FFC];
	_ =	sdelay $0x3  }
0x94: {  	_ =	strace s2  }
0x95: {  	s2 =	sld [smem:$0x3FFD];
	_ =	sdelay $0x3  }
0x96: {  	_ =	strace s2  }
0x97: {  	_ =	strace $0x8FFFFFFF  }
0x98: {  	s18 =	sld [smem:$0x3FDB];
	_ =	sdelay $0x1  }
0x99: {  	s19 =	simm.s32 $_scs_section_size  }
0x9a: {  	s4 =	simm.s32 $_size__tile_overlayer_lowered;
	s5 =	simm.s32 $_tile_overlayer_lowered  }
0x9b: {  	s22 =	simm.s32 $0x1BFF;
	s21 =	sshll.u32 s5, $0x1;
	s2 =	sadd.s32 s19, s18  }
0x9c: {  	s6 =	simm.s32 $0x0;
	s20 =	sshll.u32 s4, $0x1;
	s4 =	sadd.s32 s21, s2  }
0x9d: {  	[timem:s6], [sflag:s22] =	dma.local [hbm:s4], s20  }
0x9e: {  	_ =	swait.ge [sflag:s22], s20  }
0x9f: {  	s3 =	ssub.s32 $0x0, s20;
	[sflag:s22] =	ssyncset.done $0x0  }
0xa0: {  	[sflag:s22] =	ssyncadd.s32 s3;
	_ =	sdelay $0x1  }
0xa1: {  	s23 =	simm.s32 $0x1B8B  }
0xa2: {  	_ =	swait.ge [sflag:s23], $0x1  }
0xa3: {  	[sflag:s23] =	ssyncset.done $0x0  }
0xa4: {  	s25 =	simm.s32 $0x1B8E;
	s24 =	sld [smem:$0x3FFE];
	[sflag:s23] =	ssyncadd.s32 $0xFFFFFFFF  }
0xa5: {  	s26 =	simm.s32 $execute0_lowered;
	[smem:$0x3FD2] =	sst s25  }
0xa6: {  	s4 =	sshll.u32 s26, $0x1;
	_ =	strace $0x80000049;
	[dreg:$0x1] =	wrdreg $0xFFFFFFFF  }
0xa7: {  	s28 =	simm.s32 $_size_execute0_lowered;
	s2 =	sadd.s32 s2, s4;
	[dreg:$0x0] =	wrdreg $0x0  }
0xa8: {  	s4 =	sshll.u32 s28, $0x1;
	[dreg:$0x2] =	wrdreg s2  }
0xa9: {  	[dreg:$0x3] =	wrdreg s4  }
0xaa: {  	[dreg:$0x4] =	wrdreg $0xC0  }
0xab: {  	_ =	task [dreg:s6], $0x5FFFF  }
0xac: {  	[dreg:$0x1] =	wrdreg $0xFFFFFFFF  }
0xad: {  	[dreg:$0x0] =	wrdreg $0x60  }
0xae: {  	[dreg:$0x2] =	wrdreg s24  }
0xaf: {  	[dreg:$0x3] =	wrdreg $0x90000  }
0xb0: {  	[dreg:$0x4] =	wrdreg $0x9  }
0xb1: {  	_ =	task.clear_ibuf [dreg:s6], $0x5FFFF;
	_ =	strace $0x90000049  }
0xb2: {  	s29 =	simm.s32 $0x9;
	_ =	strace $0x8000004B  }
0xb3: {  	_ =	swait.ge [sflag:s29], $0x1  }
0xb4: {  	[sflag:s29] =	ssyncadd.s32 $0xFFFFFFFF  }
0xb5: {  	_ =	strace $0x9000004B  }
0xb6: {  	_ =	sfence  }
0xb7: {  	s30 =	sld [smem:$0x0];
	_ =	sdelay $0x2  }
0xb8: {  	s31 =	sshll.u32 s1, $0xD;
	s1 =	sshrl.u32 s1, $0x2  }
0xb9: {  	s3 =	sand.u32 $0x4000, s31;
	s1 =	sadd.s32 s1, s30  }
0xba: {  	s0 =	sor.u32 s3, s0;
	s1 =	sshll.u32 s1, $0x11  }
0xbb: {  	s0 =	sor.u32 s1, s0  }
0xbc: {  	s0 =	sadd.s32 $0x8F2B, s0  }
0xbd: {  	[sflag:s0] =	ssyncadd.remote.s32 $0x1  }
0xbe: {  	_ =	sfence.sel $0xFFFF  }
0xbf: {  	[dreg:$0x0] =	wrdreg $0xFFFFFFFF;
	(pc) =	sbr.abs _section_cstart, $3  }
0xc0: {  	[dreg:$0x1] =	wrdreg $0xFFFFFFFF  }
0xc1: {  	_ =	task.clear_ibuf [dreg:s6], $0x2FFFF;
	_ =	strace $0x9FFFFFFF  }
0xc2: {  	(tm) =	ssettm $0x7FFFFFFF  }
0xc3: {  	_ =	shalt  }
tec
execute0_lowered:
.L_overlay_start_1:
0x0: {  	(tag) =	ssettag $0x1  }
0x1: {  	s0 =	srdreg.scid;
	s6 =	rddreg [dreg:$0x0]  }
0x2: {  	s2 =	rddreg [dreg:$0x1];
	s3 =	simm.s32 $0x0;
	s11 =	simm.s32 $0x2800  }
0x3: {  	s14 =	simm.s32 $0x80;
	s15 =	simm.s32 $0x5000;
	s5 =	sand.u32 $0x1, s0  }
0x4: {  	s16 =	simm.s32 $0x0;
	s0 =	stileid.u32;
	s8 =	smul.u32 $0x140000, s5  }
0x5: {  	[smem:$0x7FF] =	sst s3;
	s4 =	sadd.s32 $0x10400, s6;
	s9 =	smul.u32 $0x14000, s0  }
0x6: {  	s1 =	sshll.u32 s5, $0x4;
	s30 =	ssub.s32 $0x2, s5;
	s10 =	smul.u32 $0x50000, s0  }
0x7: {  	s5 =	sadd.s32 $0xDC00, s6;
	s12 =	sshll.u32 s0, $0x6;
	s1 =	sor.u32 s0, s1  }
0x8: {  	s31 =	sshrl.u32 s30, $0x1;
	s12 =	sor.u32 $0x1C01, s12;
	s7 =	smul.u32 $0x500, s1  }
0x9: {  	s1 =	rddreg [dreg:$0x2];
	_ =	strace $0x8000004A;
	s8 =	sadd.s32 s9, s8  }
0xa: {  	s9 =	ssub.s32 s30, s31;
	s10 =	sshrl.u32 s10, $0x2;
	s8 =	sshrl.u32 s8, $0x3  }
0xb: {  	s13 =	sadd.s32 s10, s2;
	s9 =	smax.u32 s9, $0x1;
	s10 =	simm.s32 $0x1  }
0xc: {  	s7 =	sadd.s32 s7, s6;
	s8 =	sadd.s32 s8, s6;
	s13 =	sshrl.u32 s13, $0x3  }
0xd: {  	s6 =	sadd.s32 $0x60C00, s7;
	s7 =	sadd.s32 $0x3C00, s7;
	s8 =	sadd.s32 $0x6AC00, s8  }
.LBB2_1:
0xe: {  	[tilespmem:s3], [sflag:$0x1] =	stream.linear.gather [hbm4b:s6+s3], $0x2800, $0x38;
	[tilespmem:$0x1D000] =	vst v63  }
0xf: {  	_ =	swait.ge [sflag:s10], $0x2800  }
0x10: {  	[sflag:s10] =	ssyncset.done $0x0  }
0x11: {  	[sflag:s10] =	ssyncadd.s32 $0xFFFFD800  }
0x12: {  	[tilespmem:s11], [sflag:$0x1] =	stream.linear.gather [hbm4b:s7+s3], $0x2800, $0x38;
	[tilespmem:$0x1D000] =	vst v63  }
0x13: {  	_ =	swait.ge [sflag:s10], $0x2800  }
0x14: {  	[sflag:s10] =	ssyncset.done $0x0  }
0x15: {  	[sflag:s10] =	ssyncadd.s32 $0xFFFFD800  }
0x16: {  	[spmem:s13], [sflag:s12] =	dma.local [hbm:s5], $0x2800  }
0x17: {  	_ =	swait.ge [sflag:s10], $0x2800  }
0x18: {  	[sflag:s10] =	ssyncset.done $0x0  }
0x19: {  	[sflag:s10] =	ssyncadd.s32 $0xFFFFD800  }
0x1a: {  	s17 =	simm.s32 $0x0;
	[bflag:$0x0] =	sbarrier.arrive $0xFFFF  }
0x1b: {  	[tilespmem:s15], [sflag:$0x1] =	stream.indirect.gather [hbm4b:s4+s14], $0x80, s17, s14, $0xb8;
	[tilespmem:$0x1D000] =	vst v63  }
0x1c: {  	_ =	swait.ge [sflag:s10], $0x4000  }
0x1d: {  	[sflag:s10] =	ssyncset.done $0x0  }
0x1e: {  	s31 =	simm.s32 $0x2800;
	[sflag:s10] =	ssyncadd.s32 $0xFFFFC000  }
0x1f: {  	[spmem:s2] =	stream.indirect.scatter.add.f32 [tilespmem:s15], [sflag:$0x1], $0x80, s31, s14, $0xb8;
	[tilespmem:$0x1D000] =	vst v63  }
0x20: {  	_ =	swait.ge [sflag:s10], $0x4000  }
0x21: {  	s18 =	simm.s32 $0x400;
	s17 =	simm.s32 $0x200;
	[sflag:s10] =	ssyncset.done $0x0  }
.LBB2_2:
0x22: {  	s19 =	sshra.s32 s17, $0x2  }
0x23: {  	[sflag:s10] =	ssyncadd.s32 $0xFFFFC000;
	s17 =	smov.u32 s18;
	s20 =	sadd.s32 $0x200, s18  }
0x24: {  	[tilespmem:s15], [sflag:$0x1] =	stream.indirect.gather [hbm4b:s4+s14], $0x80, s19, s14, $0xb8;
	[tilespmem:$0x1D000] =	vst v63  }
0x25: {  	p0 =	sne.s32 s18, $0x9E00;
	_ =	swait.ge [sflag:s10], $0x4000  }
.Ltmp0:
0x26: {  	[sflag:s10] =	ssyncset.done $0x0;
	(pc) =	sbr.rel @p0 .LBB2_2-.Ltmp0, $4  }
0x27: {  	s18 =	sadd.s32 $0x2800, s19;
	[sflag:s10] =	ssyncadd.s32 $0xFFFFC000  }
0x28: {  	[spmem:s2] =	stream.indirect.scatter.add.f32 [tilespmem:s15], [sflag:$0x1], $0x80, s18, s14, $0xb8;
	[tilespmem:$0x1D000] =	vst v63  }
0x29: {  	_ =	swait.ge [sflag:s10], $0x4000  }
0x2a: {  	s18 =	smov.u32 s20;
	[sflag:s10] =	ssyncset.done $0x0  }
0x2b: {  	s17 =	sshra.s32 s17, $0x2;
	[sflag:s10] =	ssyncadd.s32 $0xFFFFC000  }
0x2c: {  	[tilespmem:s15], [sflag:$0x1] =	stream.indirect.gather [hbm4b:s4+s14], $0x80, s17, s14, $0xb8;
	[tilespmem:$0x1D000] =	vst v63  }
0x2d: {  	_ =	swait.ge [sflag:s10], $0x4000  }
0x2e: {  	[sflag:s10] =	ssyncset.done $0x0  }
0x2f: {  	s17 =	sadd.s32 $0x2800, s17;
	[sflag:s10] =	ssyncadd.s32 $0xFFFFC000  }
0x30: {  	[spmem:s2] =	stream.indirect.scatter.add.f32 [tilespmem:s15], [sflag:$0x1], $0x80, s17, s14, $0xb8;
	[tilespmem:$0x1D000] =	vst v63  }
0x31: {  	_ =	swait.ge [sflag:s10], $0x4000  }
0x32: {  	s16 =	sadd.s32 $0x1, s16;
	[sflag:s10] =	ssyncset.done $0x0  }
0x33: {  	p0 =	sne.s32 s16, s9;
	[sflag:s10] =	ssyncadd.s32 $0xFFFFC000  }
.Ltmp1:
0x34: {  	[bflag:$0x0] =	sbarrier.arrive $0xFFFF;
	(pc) =	sbr.rel @p0 .LBB2_1-.Ltmp1, $4  }
0x35: {  	[hbm:s8], [sflag:s12] =	dma.local [spmem:s13], $0x2800  }
0x36: {  	_ =	swait.ge [sflag:s10], $0x2800  }
0x37: {  	[sflag:s10] =	ssyncset.done $0x0  }
0x38: {  	[sflag:s10] =	ssyncadd.s32 $0xFFFFD800  }
0x39: {  	_ =	sfence.sel $0x180000  }
0x3a: {  	[bflag:$0x0] =	sbarrier.arrive $0xFFFF  }
0x3b: {  	p0 =	sne.s32 s0, $0x0;
	_ =	strace $0x9000004A  }
0x3c: {  	s0 =	sadd.s32 @!p0 $0x100000, s1;
	[bflag:$0x2] =	sbarrier.arrive $0xFFFF  }
0x3d: {  	[sflag:s0] =	ssyncadd.tile.s32 @!p0 $0x1;
	_ =	shalt  }
.Lfunc_end2:
_tile_overlayer_lowered:
.L_overlay_start_2:
0x3e: {  	(tag) =	ssettag $0x2  }
0x3f: {  	s0 =	rddreg [dreg:$0x0];
	s2 =	stileid.u32  }
0x40: {  	s1 =	rddreg [dreg:$0x1];
	p0 =	sne.s32 s2, $0x0  }
0x41: {  	s3 =	rddreg [dreg:$0x2];
	[bflag:$0x3] =	sbarrier.arrive $0xFFFF;
	s2 =	simm.s32 @!p0 $0x1C01  }
0x42: {  	[timem:s3], [sflag:s2] =	dma.local @!p0 [hbm:s0], s1  }
0x43: {  	s0 =	simm.s32 @!p0 $0x1  }
0x44: {  	_ =	swait.ge @!p0 [sflag:s0], s1  }
0x45: {  	s1 =	ssub.s32 @!p0 $0x0, s1;
	[sflag:s0] =	ssyncset.done @!p0 $0x0  }
0x46: {  	[sflag:s0] =	ssyncadd.s32 @!p0 s1  }
0x47: {  	[bflag:$0x3] =	sbarrier.arrive $0xFFFF  }
0x48: {  	_ =	shalt  }

// kernel: kernel.17.cloned.1.call-start
scs
__scs_entry_jumppad:
0x0: {  	(pc) =	sbr.rel $0x88, $3  }
0x1: {  	(tag) =	ssettag $0x0;
	lr =	simm.s32 $0x1  }
0x2: {  	[smem:$0x3F94] =	sst lr;
	_ =	strace $0xD0000000  }
0x3: {  	_ = 	snop  }
0x4: {  	_ = 	snop  }
0x5: {  	_ = 	snop  }
0x6: {  	_ = 	snop  }
0x7: {  	_ = 	snop  }
__scs_overlays_trampoline_lowered:
0x8: {  	[smem:$0x3FA3] =	sst s0  }
0x9: {  	[smem:$0x3FA4] =	sst s1  }
0xa: {  	[smem:$0x3FA5] =	sst s2  }
0xb: {  	[smem:$0x3FA6] =	sst s3  }
0xc: {  	[smem:$0x3FA7] =	sst s4  }
0xd: {  	[smem:$0x3FA8] =	sst s5  }
0xe: {  	[smem:$0x3FA9] =	sst s6  }
0xf: {  	[smem:$0x3FAA] =	sst s7  }
0x10: {  	[smem:$0x3FAB] =	sst s8  }
0x11: {  	[smem:$0x3FAC] =	sst s9;
	s0 =	simm.s32 @!p0 $0x0  }
0x12: {  	s1 =	sld [smem:$0x3F92];
	s0 =	simm.s32 @p0 $0x1  }
0x13: {  	[smem:$0x3FAD] =	sst s0;
	s0 =	simm.s32 @!p1 $0x0  }
0x14: {  	s2 =	sld [smem:$0x3F91];
	s0 =	simm.s32 @p1 $0x1  }
0x15: {  	[smem:$0x3FAE] =	sst s0;
	s0 =	simm.s32 @!p2 $0x0  }
0x16: {  	s3 =	sld [smem:$0x3FDB];
	s0 =	simm.s32 @p2 $0x1  }
0x17: {  	s4 =	simm.s32 $0x1BF5;
	[smem:$0x3FB0] =	sst s0  }
0x18: {  	s0 =	sld [smem:$0x3F93];
	_ =	swait.ge [sflag:s4], $0x0  }
0x19: {  	s7 =	sld [smem:$0x3F94]  }
0x1a: {  	s8 =	sadd.s32 $0xFFFFE003, lr  }
0x1b: {  	s9 =	sadd.s32 $0xFFFFFEF7, lr;
	s5 =	simm.s32 $0xFFFFFFFF;
	p2 =	slt.u32 s8, $0xFFFFF086  }
0x1c: {  	p1 =	slt.u32 s9, $0xF7A;
	s5 =	simm.s32 @!p2 $0x0  }
0x1d: {  	s5 =	simm.s32 @p1 $0x1;
	p0 =	seq.s32 s7, s2  }
0x1e: {  	s7 =	smul.u32 @!p0 $0xF7A, s2;
	p2 =	seq.s32 @!p0 s5, $0x0  }
0x1f: {  	s9 =	smul.u32 $0xF7A, s1;
	s8 =	simm.s32 @!p0 $0x1BF5;
	p2 =	por !p2, p0  }
0x20: {  	[sflag:s8] =	ssyncset.s32 @!p0 $0xFFFFF086;
	s6 =	sadd.s32 @!p0 s3, s7;
	s7 =	simm.s32 @!p0 $0x108  }
0x21: {  	s3 =	sadd.s32 s3, s9;
	s6 =	sadd.s32 @!p0 $0x88, s6;
	s7 =	simm.s32 @p2 $0x1082  }
0x22: {  	[simem:s7], [sflag:s8] =	dma.local @!p0 [hbm:s6], $0xF7A  }
0x23: {  	s9 =	sor.u32 $0xD0000000, s2;
	s6 =	simm.s32 $0x108;
	_ =	swait.ge @!p0 [sflag:s8], $0x0  }
0x24: {  	s3 =	sadd.s32 $0x88, s3;
	s6 =	simm.s32 @!p1 $0x1082;
	[sflag:s4] =	ssyncset.s32 $0xFFFFF086  }
0x25: {  	[simem:s6], [sflag:s4] =	dma.local [hbm:s3], $0xF7A  }
0x26: {  	[smem:$0x3F94] =	sst s1;
	(tag) =	ssettag s2;
	_ =	strace s9  }
0x27: {  	s1 =	sld [smem:$0x3FA4]  }
0x28: {  	s2 =	sld [smem:$0x3FA5]  }
0x29: {  	s4 =	sld [smem:$0x3FA7]  }
0x2a: {  	p0 =	seq.s32 s5, $0x0;
	s5 =	sld [smem:$0x3FA8]  }
0x2b: {  	s6 =	sld [smem:$0x3FA9]  }
0x2c: {  	s7 =	sld [smem:$0x3FAA]  }
0x2d: {  	s3 =	simm.s32 $0x108;
	s8 =	sld [smem:$0x3FAB]  }
0x2e: {  	s3 =	simm.s32 @!p0 $0x1082;
	s9 =	sld [smem:$0x3FAC]  }
0x2f: {  	lr =	sadd.s32 s0, s3;
	s0 =	sld [smem:$0x3FA3]  }
0x30: {  	s3 =	sld [smem:$0x3FA6]  }
0x31: {  	[smem:$0x3FAF] =	sst s10  }
0x32: {  	s10 =	sld [smem:$0x3FAD];
	_ =	sdelay $0x3  }
0x33: {  	p0 =	seq.s32 s10, $0x1;
	s10 =	sld [smem:$0x3FAF];
	_ =	sdelay $0x3  }
0x34: {  	[smem:$0x3FAF] =	sst s10  }
0x35: {  	s10 =	sld [smem:$0x3FAE];
	_ =	sdelay $0x3  }
0x36: {  	p1 =	seq.s32 s10, $0x1;
	s10 =	sld [smem:$0x3FAF];
	_ =	sdelay $0x3  }
0x37: {  	[smem:$0x3FAF] =	sst s10  }
0x38: {  	s10 =	sld [smem:$0x3FB0]  }
0x39: {  	_ = 	snop;
	(pc) =	sbr.ind lr, $3  }
0x3a: {  	_ = 	snop  }
0x3b: {  	_ = 	snop  }
0x3c: {  	p2 =	seq.s32 s10, $0x1;
	s10 =	sld [smem:$0x3FAF]  }
0x3d: {  	_ =	shalt  }
0x3e: {  	_ =	shalt  }
0x3f: {  	_ =	shalt  }
0x40: {  	_ =	shalt  }
0x41: {  	_ =	shalt  }
0x42: {  	_ =	shalt  }
0x43: {  	_ =	shalt  }
0x44: {  	_ =	shalt  }
0x45: {  	_ =	shalt  }
0x46: {  	_ =	shalt  }
0x47: {  	_ =	shalt  }
0x48: {  	_ =	shalt  }
0x49: {  	_ =	shalt  }
0x4a: {  	_ =	shalt  }
0x4b: {  	_ =	shalt  }
0x4c: {  	_ =	shalt  }
0x4d: {  	_ =	shalt  }
0x4e: {  	_ =	shalt  }
0x4f: {  	_ =	shalt  }
0x50: {  	_ =	shalt  }
0x51: {  	_ =	shalt  }
0x52: {  	_ =	shalt  }
0x53: {  	_ =	shalt  }
0x54: {  	_ =	shalt  }
0x55: {  	_ =	shalt  }
0x56: {  	_ =	shalt  }
0x57: {  	_ =	shalt  }
0x58: {  	_ =	shalt  }
0x59: {  	_ =	shalt  }
0x5a: {  	_ =	shalt  }
0x5b: {  	_ =	shalt  }
0x5c: {  	_ =	shalt  }
0x5d: {  	_ =	shalt  }
0x5e: {  	_ =	shalt  }
0x5f: {  	_ =	shalt  }
0x60: {  	_ =	shalt  }
0x61: {  	_ =	shalt  }
0x62: {  	_ =	shalt  }
0x63: {  	_ =	shalt  }
0x64: {  	_ =	shalt  }
0x65: {  	_ =	shalt  }
0x66: {  	_ =	shalt  }
0x67: {  	_ =	shalt  }
0x68: {  	_ =	shalt  }
0x69: {  	_ =	shalt  }
0x6a: {  	_ =	shalt  }
0x6b: {  	_ =	shalt  }
0x6c: {  	_ =	shalt  }
0x6d: {  	_ =	shalt  }
0x6e: {  	_ =	shalt  }
0x6f: {  	_ =	shalt  }
0x70: {  	_ =	shalt  }
0x71: {  	_ =	shalt  }
0x72: {  	_ =	shalt  }
0x73: {  	_ =	shalt  }
0x74: {  	_ =	shalt  }
0x75: {  	_ =	shalt  }
0x76: {  	_ =	shalt  }
0x77: {  	_ =	shalt  }
0x78: {  	_ =	shalt  }
0x79: {  	_ =	shalt  }
0x7a: {  	_ =	shalt  }
0x7b: {  	_ =	shalt  }
0x7c: {  	_ =	shalt  }
0x7d: {  	_ =	shalt  }
0x7e: {  	_ =	shalt  }
0x7f: {  	_ =	shalt  }
0x80: {  	_ =	shalt  }
0x81: {  	_ =	shalt  }
0x82: {  	_ =	shalt  }
0x83: {  	_ =	shalt  }
0x84: {  	_ =	shalt  }
0x85: {  	_ =	shalt  }
0x86: {  	_ =	shalt  }
0x87: {  	_ =	shalt  }
.Lfunc_end0:
.L_simem_size_0:
called_computation.2_lowered:
.L_overlay_start_0:
0x88: {  	s2 =	sld [smem:$0x3FD9]  }
0x89: {  	s3 =	sld [smem:$0x3FFE];
	_ =	sdelay $0x1  }
0x8a: {  	s1 =	srdreg.scid  }
0x8b: {  	s0 =	sand.u32 $0x1, s1  }
0x8c: {  	s16 =	sshll.u32 s0, $0xA;
	s2 =	sadd.s32 s3, s2  }
0x8d: {  	s2 =	sadd.s32 s2, s16  }
0x8e: {  	[smem:$0x3FBB] =	sst s2  }
0x8f: {  	_ = 	snop  }
0x90: {  	(tm) =	ssettm $0x1  }
0x91: {  	s17 =	sld [smem:$0x3FFB];
	_ =	sdelay $0x3  }
0x92: {  	_ =	strace s17  }
0x93: {  	s2 =	sld [smem:$0x3FFC];
	_ =	sdelay $0x3  }
0x94: {  	_ =	strace s2  }
0x95: {  	s2 =	sld [smem:$0x3FFD];
	_ =	sdelay $0x3  }
0x96: {  	_ =	strace s2  }
0x97: {  	_ =	strace $0x8FFFFFFF  }
0x98: {  	s18 =	sld [smem:$0x3FDB];
	_ =	sdelay $0x1  }
0x99: {  	s19 =	simm.s32 $_scs_section_size  }
0x9a: {  	s4 =	simm.s32 $_size__tile_overlayer_lowered;
	s5 =	simm.s32 $_tile_overlayer_lowered  }
0x9b: {  	s22 =	simm.s32 $0x1BFF;
	s21 =	sshll.u32 s5, $0x1;
	s2 =	sadd.s32 s19, s18  }
0x9c: {  	s6 =	simm.s32 $0x0;
	s20 =	sshll.u32 s4, $0x1;
	s4 =	sadd.s32 s21, s2  }
0x9d: {  	[timem:s6], [sflag:s22] =	dma.local [hbm:s4], s20  }
0x9e: {  	_ =	swait.ge [sflag:s22], s20  }
0x9f: {  	s3 =	ssub.s32 $0x0, s20;
	[sflag:s22] =	ssyncset.done $0x0  }
0xa0: {  	[sflag:s22] =	ssyncadd.s32 s3;
	_ =	sdelay $0x1  }
0xa1: {  	s23 =	simm.s32 $0x1B8B  }
0xa2: {  	_ =	swait.ge [sflag:s23], $0x1  }
0xa3: {  	[sflag:s23] =	ssyncset.done $0x0  }
0xa4: {  	s25 =	simm.s32 $0x1B8E;
	s24 =	sld [smem:$0x3FFE];
	[sflag:s23] =	ssyncadd.s32 $0xFFFFFFFF  }
0xa5: {  	s26 =	simm.s32 $execute0_lowered;
	[smem:$0x3FD2] =	sst s25  }
0xa6: {  	s4 =	sshll.u32 s26, $0x1;
	_ =	strace $0x8000004C;
	[dreg:$0x1] =	wrdreg $0xFFFFFFFF  }
0xa7: {  	s28 =	simm.s32 $_size_execute0_lowered;
	s2 =	sadd.s32 s2, s4;
	[dreg:$0x0] =	wrdreg $0x0  }
0xa8: {  	s4 =	sshll.u32 s28, $0x1;
	[dreg:$0x2] =	wrdreg s2  }
0xa9: {  	[dreg:$0x3] =	wrdreg s4  }
0xaa: {  	[dreg:$0x4] =	wrdreg $0xC0  }
0xab: {  	_ =	task [dreg:s6], $0x5FFFF  }
0xac: {  	[dreg:$0x1] =	wrdreg $0xFFFFFFFF  }
0xad: {  	[dreg:$0x0] =	wrdreg $0x60  }
0xae: {  	[dreg:$0x2] =	wrdreg s24  }
0xaf: {  	[dreg:$0x3] =	wrdreg $0x90000  }
0xb0: {  	[dreg:$0x4] =	wrdreg $0x9  }
0xb1: {  	_ =	task.clear_ibuf [dreg:s6], $0x5FFFF;
	_ =	strace $0x9000004C  }
0xb2: {  	s29 =	simm.s32 $0x9;
	_ =	strace $0x8000004E  }
0xb3: {  	_ =	swait.ge [sflag:s29], $0x1  }
0xb4: {  	[sflag:s29] =	ssyncadd.s32 $0xFFFFFFFF  }
0xb5: {  	_ =	strace $0x9000004E  }
0xb6: {  	_ =	sfence  }
0xb7: {  	s30 =	sld [smem:$0x0];
	_ =	sdelay $0x2  }
0xb8: {  	s31 =	sshll.u32 s1, $0xD;
	s1 =	sshrl.u32 s1, $0x2  }
0xb9: {  	s3 =	sand.u32 $0x4000, s31;
	s1 =	sadd.s32 s1, s30  }
0xba: {  	s0 =	sor.u32 s3, s0;
	s1 =	sshll.u32 s1, $0x11  }
0xbb: {  	s0 =	sor.u32 s1, s0  }
0xbc: {  	s0 =	sadd.s32 $0x8F2B, s0  }
0xbd: {  	[sflag:s0] =	ssyncadd.remote.s32 $0x1  }
0xbe: {  	_ =	sfence.sel $0xFFFF  }
0xbf: {  	[dreg:$0x0] =	wrdreg $0xFFFFFFFF;
	(pc) =	sbr.abs _section_cstart, $3  }
0xc0: {  	[dreg:$0x1] =	wrdreg $0xFFFFFFFF  }
0xc1: {  	_ =	task.clear_ibuf [dreg:s6], $0x2FFFF;
	_ =	strace $0x9FFFFFFF  }
0xc2: {  	(tm) =	ssettm $0x7FFFFFFF  }
0xc3: {  	_ =	shalt  }
tec
execute0_lowered:
.L_overlay_start_1:
0x0: {  	(tag) =	ssettag $0x1  }
0x1: {  	s0 =	srdreg.scid;
	s6 =	rddreg [dreg:$0x0]  }
0x2: {  	s2 =	rddreg [dreg:$0x1];
	s3 =	simm.s32 $0x0;
	s11 =	simm.s32 $0x2800  }
0x3: {  	s14 =	simm.s32 $0x80;
	s15 =	simm.s32 $0x5000;
	s5 =	sand.u32 $0x1, s0  }
0x4: {  	s16 =	simm.s32 $0x0;
	s0 =	stileid.u32;
	s8 =	smul.u32 $0x140000, s5  }
0x5: {  	[smem:$0x7FF] =	sst s3;
	s4 =	sadd.s32 $0x10400, s6;
	s9 =	smul.u32 $0x14000, s0  }
0x6: {  	s1 =	sshll.u32 s5, $0x4;
	s30 =	ssub.s32 $0x2, s5;
	s10 =	smul.u32 $0x50000, s0  }
0x7: {  	s5 =	sadd.s32 $0xDC00, s6;
	s12 =	sshll.u32 s0, $0x6;
	s1 =	sor.u32 s0, s1  }
0x8: {  	s31 =	sshrl.u32 s30, $0x1;
	s12 =	sor.u32 $0x1C01, s12;
	s7 =	smul.u32 $0x500, s1  }
0x9: {  	s1 =	rddreg [dreg:$0x2];
	_ =	strace $0x8000004D;
	s8 =	sadd.s32 s9, s8  }
0xa: {  	s9 =	ssub.s32 s30, s31;
	s10 =	sshrl.u32 s10, $0x2;
	s8 =	sshrl.u32 s8, $0x3  }
0xb: {  	s13 =	sadd.s32 s10, s2;
	s9 =	smax.u32 s9, $0x1;
	s10 =	simm.s32 $0x1  }
0xc: {  	s7 =	sadd.s32 s7, s6;
	s8 =	sadd.s32 s8, s6;
	s13 =	sshrl.u32 s13, $0x3  }
0xd: {  	s6 =	sadd.s32 $0x60C00, s7;
	s7 =	sadd.s32 $0x3C00, s7;
	s8 =	sadd.s32 $0x6AC00, s8  }
.LBB2_1:
0xe: {  	[tilespmem:s3], [sflag:$0x1] =	stream.linear.gather [hbm4b:s6+s3], $0x2800, $0x38;
	[tilespmem:$0x1D000] =	vst v63  }
0xf: {  	_ =	swait.ge [sflag:s10], $0x2800  }
0x10: {  	[sflag:s10] =	ssyncset.done $0x0  }
0x11: {  	[sflag:s10] =	ssyncadd.s32 $0xFFFFD800  }
0x12: {  	[tilespmem:s11], [sflag:$0x1] =	stream.linear.gather [hbm4b:s7+s3], $0x2800, $0x38;
	[tilespmem:$0x1D000] =	vst v63  }
0x13: {  	_ =	swait.ge [sflag:s10], $0x2800  }
0x14: {  	[sflag:s10] =	ssyncset.done $0x0  }
0x15: {  	[sflag:s10] =	ssyncadd.s32 $0xFFFFD800  }
0x16: {  	[spmem:s13], [sflag:s12] =	dma.local [hbm:s5], $0x2800  }
0x17: {  	_ =	swait.ge [sflag:s10], $0x2800  }
0x18: {  	[sflag:s10] =	ssyncset.done $0x0  }
0x19: {  	[sflag:s10] =	ssyncadd.s32 $0xFFFFD800  }
0x1a: {  	s17 =	simm.s32 $0x0;
	[bflag:$0x0] =	sbarrier.arrive $0xFFFF  }
0x1b: {  	[tilespmem:s15], [sflag:$0x1] =	stream.indirect.gather [hbm4b:s4+s14], $0x80, s17, s14, $0xb8;
	[tilespmem:$0x1D000] =	vst v63  }
0x1c: {  	_ =	swait.ge [sflag:s10], $0x4000  }
0x1d: {  	[sflag:s10] =	ssyncset.done $0x0  }
0x1e: {  	s31 =	simm.s32 $0x2800;
	[sflag:s10] =	ssyncadd.s32 $0xFFFFC000  }
0x1f: {  	[spmem:s2] =	stream.indirect.scatter.add.f32 [tilespmem:s15], [sflag:$0x1], $0x80, s31, s14, $0xb8;
	[tilespmem:$0x1D000] =	vst v63  }
0x20: {  	_ =	swait.ge [sflag:s10], $0x4000  }
0x21: {  	s18 =	simm.s32 $0x400;
	s17 =	simm.s32 $0x200;
	[sflag:s10] =	ssyncset.done $0x0  }
.LBB2_2:
0x22: {  	s19 =	sshra.s32 s17, $0x2  }
0x23: {  	[sflag:s10] =	ssyncadd.s32 $0xFFFFC000;
	s17 =	smov.u32 s18;
	s20 =	sadd.s32 $0x200, s18  }
0x24: {  	[tilespmem:s15], [sflag:$0x1] =	stream.indirect.gather [hbm4b:s4+s14], $0x80, s19, s14, $0xb8;
	[tilespmem:$0x1D000] =	vst v63  }
0x25: {  	p0 =	sne.s32 s18, $0x9E00;
	_ =	swait.ge [sflag:s10], $0x4000  }
.Ltmp0:
0x26: {  	[sflag:s10] =	ssyncset.done $0x0;
	(pc) =	sbr.rel @p0 .LBB2_2-.Ltmp0, $4  }
0x27: {  	s18 =	sadd.s32 $0x2800, s19;
	[sflag:s10] =	ssyncadd.s32 $0xFFFFC000  }
0x28: {  	[spmem:s2] =	stream.indirect.scatter.add.f32 [tilespmem:s15], [sflag:$0x1], $0x80, s18, s14, $0xb8;
	[tilespmem:$0x1D000] =	vst v63  }
0x29: {  	_ =	swait.ge [sflag:s10], $0x4000  }
0x2a: {  	s18 =	smov.u32 s20;
	[sflag:s10] =	ssyncset.done $0x0  }
0x2b: {  	s17 =	sshra.s32 s17, $0x2;
	[sflag:s10] =	ssyncadd.s32 $0xFFFFC000  }
0x2c: {  	[tilespmem:s15], [sflag:$0x1] =	stream.indirect.gather [hbm4b:s4+s14], $0x80, s17, s14, $0xb8;
	[tilespmem:$0x1D000] =	vst v63  }
0x2d: {  	_ =	swait.ge [sflag:s10], $0x4000  }
0x2e: {  	[sflag:s10] =	ssyncset.done $0x0  }
0x2f: {  	s17 =	sadd.s32 $0x2800, s17;
	[sflag:s10] =	ssyncadd.s32 $0xFFFFC000  }
0x30: {  	[spmem:s2] =	stream.indirect.scatter.add.f32 [tilespmem:s15], [sflag:$0x1], $0x80, s17, s14, $0xb8;
	[tilespmem:$0x1D000] =	vst v63  }
0x31: {  	_ =	swait.ge [sflag:s10], $0x4000  }
0x32: {  	s16 =	sadd.s32 $0x1, s16;
	[sflag:s10] =	ssyncset.done $0x0  }
0x33: {  	p0 =	sne.s32 s16, s9;
	[sflag:s10] =	ssyncadd.s32 $0xFFFFC000  }
.Ltmp1:
0x34: {  	[bflag:$0x0] =	sbarrier.arrive $0xFFFF;
	(pc) =	sbr.rel @p0 .LBB2_1-.Ltmp1, $4  }
0x35: {  	[hbm:s8], [sflag:s12] =	dma.local [spmem:s13], $0x2800  }
0x36: {  	_ =	swait.ge [sflag:s10], $0x2800  }
0x37: {  	[sflag:s10] =	ssyncset.done $0x0  }
0x38: {  	[sflag:s10] =	ssyncadd.s32 $0xFFFFD800  }
0x39: {  	_ =	sfence.sel $0x180000  }
0x3a: {  	[bflag:$0x0] =	sbarrier.arrive $0xFFFF  }
0x3b: {  	p0 =	sne.s32 s0, $0x0;
	_ =	strace $0x9000004D  }
0x3c: {  	s0 =	sadd.s32 @!p0 $0x100000, s1;
	[bflag:$0x2] =	sbarrier.arrive $0xFFFF  }
0x3d: {  	[sflag:s0] =	ssyncadd.tile.s32 @!p0 $0x1;
	_ =	shalt  }
.Lfunc_end2:
_tile_overlayer_lowered:
.L_overlay_start_2:
0x3e: {  	(tag) =	ssettag $0x2  }
0x3f: {  	s0 =	rddreg [dreg:$0x0];
	s2 =	stileid.u32  }
0x40: {  	s1 =	rddreg [dreg:$0x1];
	p0 =	sne.s32 s2, $0x0  }
0x41: {  	s3 =	rddreg [dreg:$0x2];
	[bflag:$0x3] =	sbarrier.arrive $0xFFFF;
	s2 =	simm.s32 @!p0 $0x1C01  }
0x42: {  	[timem:s3], [sflag:s2] =	dma.local @!p0 [hbm:s0], s1  }
0x43: {  	s0 =	simm.s32 @!p0 $0x1  }
0x44: {  	_ =	swait.ge @!p0 [sflag:s0], s1  }
0x45: {  	s1 =	ssub.s32 @!p0 $0x0, s1;
	[sflag:s0] =	ssyncset.done @!p0 $0x0  }
0x46: {  	[sflag:s0] =	ssyncadd.s32 @!p0 s1  }
0x47: {  	[bflag:$0x3] =	sbarrier.arrive $0xFFFF  }
0x48: {  	_ =	shalt  }

// kernel: kernel.20.cloned.1.call-start
scs
__scs_entry_jumppad:
0x0: {  	(pc) =	sbr.rel $0x88, $3  }
0x1: {  	(tag) =	ssettag $0x0;
	lr =	simm.s32 $0x1  }
0x2: {  	[smem:$0x3F94] =	sst lr;
	_ =	strace $0xD0000000  }
0x3: {  	_ = 	snop  }
0x4: {  	_ = 	snop  }
0x5: {  	_ = 	snop  }
0x6: {  	_ = 	snop  }
0x7: {  	_ = 	snop  }
__scs_overlays_trampoline_lowered:
0x8: {  	[smem:$0x3FA3] =	sst s0  }
0x9: {  	[smem:$0x3FA4] =	sst s1  }
0xa: {  	[smem:$0x3FA5] =	sst s2  }
0xb: {  	[smem:$0x3FA6] =	sst s3  }
0xc: {  	[smem:$0x3FA7] =	sst s4  }
0xd: {  	[smem:$0x3FA8] =	sst s5  }
0xe: {  	[smem:$0x3FA9] =	sst s6  }
0xf: {  	[smem:$0x3FAA] =	sst s7  }
0x10: {  	[smem:$0x3FAB] =	sst s8  }
0x11: {  	[smem:$0x3FAC] =	sst s9;
	s0 =	simm.s32 @!p0 $0x0  }
0x12: {  	s1 =	sld [smem:$0x3F92];
	s0 =	simm.s32 @p0 $0x1  }
0x13: {  	[smem:$0x3FAD] =	sst s0;
	s0 =	simm.s32 @!p1 $0x0  }
0x14: {  	s2 =	sld [smem:$0x3F91];
	s0 =	simm.s32 @p1 $0x1  }
0x15: {  	[smem:$0x3FAE] =	sst s0;
	s0 =	simm.s32 @!p2 $0x0  }
0x16: {  	s3 =	sld [smem:$0x3FDB];
	s0 =	simm.s32 @p2 $0x1  }
0x17: {  	s4 =	simm.s32 $0x1BF5;
	[smem:$0x3FB0] =	sst s0  }
0x18: {  	s0 =	sld [smem:$0x3F93];
	_ =	swait.ge [sflag:s4], $0x0  }
0x19: {  	s7 =	sld [smem:$0x3F94]  }
0x1a: {  	s8 =	sadd.s32 $0xFFFFE003, lr  }
0x1b: {  	s9 =	sadd.s32 $0xFFFFFEF7, lr;
	s5 =	simm.s32 $0xFFFFFFFF;
	p2 =	slt.u32 s8, $0xFFFFF086  }
0x1c: {  	p1 =	slt.u32 s9, $0xF7A;
	s5 =	simm.s32 @!p2 $0x0  }
0x1d: {  	s5 =	simm.s32 @p1 $0x1;
	p0 =	seq.s32 s7, s2  }
0x1e: {  	s7 =	smul.u32 @!p0 $0xF7A, s2;
	p2 =	seq.s32 @!p0 s5, $0x0  }
0x1f: {  	s9 =	smul.u32 $0xF7A, s1;
	s8 =	simm.s32 @!p0 $0x1BF5;
	p2 =	por !p2, p0  }
0x20: {  	[sflag:s8] =	ssyncset.s32 @!p0 $0xFFFFF086;
	s6 =	sadd.s32 @!p0 s3, s7;
	s7 =	simm.s32 @!p0 $0x108  }
0x21: {  	s3 =	sadd.s32 s3, s9;
	s6 =	sadd.s32 @!p0 $0x88, s6;
	s7 =	simm.s32 @p2 $0x1082  }
0x22: {  	[simem:s7], [sflag:s8] =	dma.local @!p0 [hbm:s6], $0xF7A  }
0x23: {  	s9 =	sor.u32 $0xD0000000, s2;
	s6 =	simm.s32 $0x108;
	_ =	swait.ge @!p0 [sflag:s8], $0x0  }
0x24: {  	s3 =	sadd.s32 $0x88, s3;
	s6 =	simm.s32 @!p1 $0x1082;
	[sflag:s4] =	ssyncset.s32 $0xFFFFF086  }
0x25: {  	[simem:s6], [sflag:s4] =	dma.local [hbm:s3], $0xF7A  }
0x26: {  	[smem:$0x3F94] =	sst s1;
	(tag) =	ssettag s2;
	_ =	strace s9  }
0x27: {  	s1 =	sld [smem:$0x3FA4]  }
0x28: {  	s2 =	sld [smem:$0x3FA5]  }
0x29: {  	s4 =	sld [smem:$0x3FA7]  }
0x2a: {  	p0 =	seq.s32 s5, $0x0;
	s5 =	sld [smem:$0x3FA8]  }
0x2b: {  	s6 =	sld [smem:$0x3FA9]  }
0x2c: {  	s7 =	sld [smem:$0x3FAA]  }
0x2d: {  	s3 =	simm.s32 $0x108;
	s8 =	sld [smem:$0x3FAB]  }
0x2e: {  	s3 =	simm.s32 @!p0 $0x1082;
	s9 =	sld [smem:$0x3FAC]  }
0x2f: {  	lr =	sadd.s32 s0, s3;
	s0 =	sld [smem:$0x3FA3]  }
0x30: {  	s3 =	sld [smem:$0x3FA6]  }
0x31: {  	[smem:$0x3FAF] =	sst s10  }
0x32: {  	s10 =	sld [smem:$0x3FAD];
	_ =	sdelay $0x3  }
0x33: {  	p0 =	seq.s32 s10, $0x1;
	s10 =	sld [smem:$0x3FAF];
	_ =	sdelay $0x3  }
0x34: {  	[smem:$0x3FAF] =	sst s10  }
0x35: {  	s10 =	sld [smem:$0x3FAE];
	_ =	sdelay $0x3  }
0x36: {  	p1 =	seq.s32 s10, $0x1;
	s10 =	sld [smem:$0x3FAF];
	_ =	sdelay $0x3  }
0x37: {  	[smem:$0x3FAF] =	sst s10  }
0x38: {  	s10 =	sld [smem:$0x3FB0]  }
0x39: {  	_ = 	snop;
	(pc) =	sbr.ind lr, $3  }
0x3a: {  	_ = 	snop  }
0x3b: {  	_ = 	snop  }
0x3c: {  	p2 =	seq.s32 s10, $0x1;
	s10 =	sld [smem:$0x3FAF]  }
0x3d: {  	_ =	shalt  }
0x3e: {  	_ =	shalt  }
0x3f: {  	_ =	shalt  }
0x40: {  	_ =	shalt  }
0x41: {  	_ =	shalt  }
0x42: {  	_ =	shalt  }
0x43: {  	_ =	shalt  }
0x44: {  	_ =	shalt  }
0x45: {  	_ =	shalt  }
0x46: {  	_ =	shalt  }
0x47: {  	_ =	shalt  }
0x48: {  	_ =	shalt  }
0x49: {  	_ =	shalt  }
0x4a: {  	_ =	shalt  }
0x4b: {  	_ =	shalt  }
0x4c: {  	_ =	shalt  }
0x4d: {  	_ =	shalt  }
0x4e: {  	_ =	shalt  }
0x4f: {  	_ =	shalt  }
0x50: {  	_ =	shalt  }
0x51: {  	_ =	shalt  }
0x52: {  	_ =	shalt  }
0x53: {  	_ =	shalt  }
0x54: {  	_ =	shalt  }
0x55: {  	_ =	shalt  }
0x56: {  	_ =	shalt  }
0x57: {  	_ =	shalt  }
0x58: {  	_ =	shalt  }
0x59: {  	_ =	shalt  }
0x5a: {  	_ =	shalt  }
0x5b: {  	_ =	shalt  }
0x5c: {  	_ =	shalt  }
0x5d: {  	_ =	shalt  }
0x5e: {  	_ =	shalt  }
0x5f: {  	_ =	shalt  }
0x60: {  	_ =	shalt  }
0x61: {  	_ =	shalt  }
0x62: {  	_ =	shalt  }
0x63: {  	_ =	shalt  }
0x64: {  	_ =	shalt  }
0x65: {  	_ =	shalt  }
0x66: {  	_ =	shalt  }
0x67: {  	_ =	shalt  }
0x68: {  	_ =	shalt  }
0x69: {  	_ =	shalt  }
0x6a: {  	_ =	shalt  }
0x6b: {  	_ =	shalt  }
0x6c: {  	_ =	shalt  }
0x6d: {  	_ =	shalt  }
0x6e: {  	_ =	shalt  }
0x6f: {  	_ =	shalt  }
0x70: {  	_ =	shalt  }
0x71: {  	_ =	shalt  }
0x72: {  	_ =	shalt  }
0x73: {  	_ =	shalt  }
0x74: {  	_ =	shalt  }
0x75: {  	_ =	shalt  }
0x76: {  	_ =	shalt  }
0x77: {  	_ =	shalt  }
0x78: {  	_ =	shalt  }
0x79: {  	_ =	shalt  }
0x7a: {  	_ =	shalt  }
0x7b: {  	_ =	shalt  }
0x7c: {  	_ =	shalt  }
0x7d: {  	_ =	shalt  }
0x7e: {  	_ =	shalt  }
0x7f: {  	_ =	shalt  }
0x80: {  	_ =	shalt  }
0x81: {  	_ =	shalt  }
0x82: {  	_ =	shalt  }
0x83: {  	_ =	shalt  }
0x84: {  	_ =	shalt  }
0x85: {  	_ =	shalt  }
0x86: {  	_ =	shalt  }
0x87: {  	_ =	shalt  }
.Lfunc_end0:
.L_simem_size_0:
called_computation.3_lowered:
.L_overlay_start_0:
0x88: {  	s2 =	sld [smem:$0x3FD9]  }
0x89: {  	s3 =	sld [smem:$0x3FFE];
	_ =	sdelay $0x1  }
0x8a: {  	s1 =	srdreg.scid  }
0x8b: {  	s0 =	sand.u32 $0x1, s1  }
0x8c: {  	s17 =	sshll.u32 s0, $0xA;
	s2 =	sadd.s32 s3, s2  }
0x8d: {  	s2 =	sadd.s32 s2, s17  }
0x8e: {  	[smem:$0x3FBB] =	sst s2  }
0x8f: {  	_ = 	snop  }
0x90: {  	(tm) =	ssettm $0x1  }
0x91: {  	s18 =	sld [smem:$0x3FFB];
	_ =	sdelay $0x3  }
0x92: {  	_ =	strace s18  }
0x93: {  	s2 =	sld [smem:$0x3FFC];
	_ =	sdelay $0x3  }
0x94: {  	_ =	strace s2  }
0x95: {  	s2 =	sld [smem:$0x3FFD];
	_ =	sdelay $0x3  }
0x96: {  	_ =	strace s2  }
0x97: {  	_ =	strace $0x8FFFFFFF  }
0x98: {  	s19 =	sld [smem:$0x3FDB];
	_ =	sdelay $0x1  }
0x99: {  	s20 =	simm.s32 $_scs_section_size  }
0x9a: {  	s4 =	simm.s32 $_size__tile_overlayer_lowered;
	s5 =	simm.s32 $_tile_overlayer_lowered  }
0x9b: {  	s6 =	simm.s32 $0x1BFF;
	s21 =	sshll.u32 s5, $0x1;
	s3 =	sadd.s32 s20, s19  }
0x9c: {  	s22 =	simm.s32 $0x0;
	s4 =	sshll.u32 s4, $0x1;
	s5 =	sadd.s32 s21, s3  }
0x9d: {  	[timem:s22], [sflag:s6] =	dma.local [hbm:s5], s4  }
0x9e: {  	_ =	swait.ge [sflag:s6], s4  }
0x9f: {  	s4 =	ssub.s32 $0x0, s4;
	[sflag:s6] =	ssyncset.done $0x0  }
0xa0: {  	[sflag:s6] =	ssyncadd.s32 s4;
	_ =	sdelay $0x1  }
0xa1: {  	s23 =	simm.s32 $0x1B8B  }
0xa2: {  	_ =	swait.ge [sflag:s23], $0x1  }
0xa3: {  	[sflag:s23] =	ssyncset.done $0x0  }
0xa4: {  	[sflag:s23] =	ssyncadd.s32 $0xFFFFFFFF  }
0xa5: {  	s4 =	sld [smem:$0x0]  }
0xa6: {  	s5 =	sand.u32 $0xFFFFFFFE, s1  }
0xa7: {  	p0 =	sne.s32 s1, s5  }
0xa8: {  	s5 =	sshll.u32 @p0 s5, $0xE  }
0xa9: {  	s5 =	sadd.s32 @p0 $0x11B8D, s5;
	s6 =	sshll.u32 @p0 s4, $0x11  }
0xaa: {  	s5 =	sor.u32 @p0 s6, s5  }
0xab: {  	[sflag:s5] =	ssyncadd.remote.s32 @p0 $0x1;
	_ =	sdelay $0x1  }
0xac: {  	s5 =	simm.s32 @p0 $0x1B8D  }
0xad: {  	_ =	swait.eq @p0 [sflag:s5], $0x1  }
0xae: {  	[sflag:s5] =	ssyncadd.s32 @p0 $0xFFFFFFFF  }
0xaf: {  	s6 =	sshll.u32 @!p0 s1, $0xE  }
0xb0: {  	s6 =	sor.u32 @!p0 $0x4000, s6;
	s5 =	simm.s32 @!p0 $0x1B8D  }
0xb1: {  	s4 =	sshll.u32 @!p0 s4, $0x11;
	s6 =	sadd.s32 @!p0 $0x11B8D, s6;
	_ =	swait.eq @!p0 [sflag:s5], $0x1  }
0xb2: {  	s4 =	sor.u32 @!p0 s4, s6;
	[sflag:s5] =	ssyncadd.s32 @!p0 $0xFFFFFFFF  }
0xb3: {  	s25 =	simm.s32 $0x1B8E;
	s24 =	sld [smem:$0x3FFE];
	[sflag:s4] =	ssyncadd.remote.s32 @!p0 $0x1  }
0xb4: {  	s26 =	simm.s32 $execute0_lowered;
	[smem:$0x3FD2] =	sst s25  }
0xb5: {  	s5 =	sshll.u32 s26, $0x1;
	_ =	strace $0x80000052;
	[dreg:$0x1] =	wrdreg $0xFFFFFFFF  }
0xb6: {  	s28 =	simm.s32 $_size_execute0_lowered;
	s3 =	sadd.s32 s3, s5;
	[dreg:$0x0] =	wrdreg $0x0  }
0xb7: {  	s5 =	sshll.u32 s28, $0x1;
	[dreg:$0x2] =	wrdreg s3  }
0xb8: {  	[dreg:$0x3] =	wrdreg s5  }
0xb9: {  	[dreg:$0x4] =	wrdreg $0xC0  }
0xba: {  	_ =	task [dreg:s22], $0x5FFFF  }
0xbb: {  	[dreg:$0x1] =	wrdreg $0xFFFFFFFF  }
0xbc: {  	[dreg:$0x0] =	wrdreg $0x60  }
0xbd: {  	[dreg:$0x2] =	wrdreg s24  }
0xbe: {  	[dreg:$0x3] =	wrdreg $0x90000  }
0xbf: {  	[dreg:$0x4] =	wrdreg $0x9  }
0xc0: {  	_ =	task.clear_ibuf [dreg:s22], $0x5FFFF;
	_ =	strace $0x90000052  }
0xc1: {  	s29 =	simm.s32 $0x9;
	_ =	strace $0x80000054  }
0xc2: {  	_ =	swait.ge [sflag:s29], $0x1  }
0xc3: {  	[sflag:s29] =	ssyncadd.s32 $0xFFFFFFFF  }
0xc4: {  	_ =	strace $0x90000054  }
0xc5: {  	_ =	sfence  }
0xc6: {  	s30 =	sld [smem:$0x0];
	_ =	sdelay $0x2  }
0xc7: {  	s31 =	sshll.u32 s1, $0xD;
	s1 =	sshrl.u32 s1, $0x2  }
0xc8: {  	s4 =	sand.u32 $0x4000, s31;
	s1 =	sadd.s32 s1, s30  }
0xc9: {  	s0 =	sor.u32 s4, s0;
	s1 =	sshll.u32 s1, $0x11  }
0xca: {  	s0 =	sor.u32 s1, s0  }
0xcb: {  	s0 =	sadd.s32 $0x8F2B, s0  }
0xcc: {  	[sflag:s0] =	ssyncadd.remote.s32 $0x1  }
0xcd: {  	_ =	sfence.sel $0xFFFF  }
0xce: {  	[dreg:$0x0] =	wrdreg $0xFFFFFFFF;
	(pc) =	sbr.abs _section_cstart, $3  }
0xcf: {  	[dreg:$0x1] =	wrdreg $0xFFFFFFFF  }
0xd0: {  	_ =	task.clear_ibuf [dreg:s22], $0x2FFFF;
	_ =	strace $0x9FFFFFFF  }
0xd1: {  	(tm) =	ssettm $0x7FFFFFFF  }
tec
execute0_lowered:
.L_overlay_start_1:
0x0: {  	(tag) =	ssettag $0x1  }
0x1: {  	s0 =	srdreg.scid;
	s6 =	rddreg [dreg:$0x0]  }
0x2: {  	s2 =	rddreg [dreg:$0x1];
	s3 =	simm.s32 $0x0;
	s11 =	simm.s32 $0x2800  }
0x3: {  	s14 =	simm.s32 $0x80;
	s15 =	simm.s32 $0x5000;
	s5 =	sand.u32 $0x1, s0  }
0x4: {  	s16 =	simm.s32 $0x0;
	s0 =	stileid.u32;
	s8 =	smul.u32 $0x140000, s5  }
0x5: {  	[smem:$0x7FF] =	sst s3;
	s4 =	sadd.s32 $0x37600, s6;
	s9 =	smul.u32 $0x14000, s0  }
0x6: {  	s1 =	sshll.u32 s5, $0x4;
	s30 =	ssub.s32 $0x2, s5;
	s10 =	smul.u32 $0x50000, s0  }
0x7: {  	s5 =	sadd.s32 $0xDC00, s6;
	s12 =	sshll.u32 s0, $0x6;
	s1 =	sor.u32 s0, s1  }
0x8: {  	s31 =	sshrl.u32 s30, $0x1;
	s12 =	sor.u32 $0x1C01, s12;
	s7 =	smul.u32 $0x500, s1  }
0x9: {  	s1 =	rddreg [dreg:$0x2];
	_ =	strace $0x80000053;
	s8 =	sadd.s32 s9, s8  }
0xa: {  	s9 =	ssub.s32 s30, s31;
	s10 =	sshrl.u32 s10, $0x2;
	s8 =	sshrl.u32 s8, $0x3  }
0xb: {  	s13 =	sadd.s32 s10, s2;
	s9 =	smax.u32 s9, $0x1;
	s10 =	simm.s32 $0x1  }
0xc: {  	s7 =	sadd.s32 s7, s6;
	s8 =	sadd.s32 s8, s6;
	s13 =	sshrl.u32 s13, $0x3  }
0xd: {  	s6 =	sadd.s32 $0x60C00, s7;
	s7 =	sadd.s32 $0x3C00, s7;
	s8 =	sadd.s32 $0xBAC00, s8  }
.LBB2_1:
0xe: {  	[tilespmem:s3], [sflag:$0x1] =	stream.linear.gather [hbm4b:s6+s3], $0x2800, $0x38;
	[tilespmem:$0x1D000] =	vst v63  }
0xf: {  	_ =	swait.ge [sflag:s10], $0x2800  }
0x10: {  	[sflag:s10] =	ssyncset.done $0x0  }
0x11: {  	[sflag:s10] =	ssyncadd.s32 $0xFFFFD800  }
0x12: {  	[tilespmem:s11], [sflag:$0x1] =	stream.linear.gather [hbm4b:s7+s3], $0x2800, $0x38;
	[tilespmem:$0x1D000] =	vst v63  }
0x13: {  	_ =	swait.ge [sflag:s10], $0x2800  }
0x14: {  	[sflag:s10] =	ssyncset.done $0x0  }
0x15: {  	[sflag:s10] =	ssyncadd.s32 $0xFFFFD800  }
0x16: {  	[spmem:s13], [sflag:s12] =	dma.local [hbm:s5], $0x2800  }
0x17: {  	_ =	swait.ge [sflag:s10], $0x2800  }
0x18: {  	[sflag:s10] =	ssyncset.done $0x0  }
0x19: {  	[sflag:s10] =	ssyncadd.s32 $0xFFFFD800  }
0x1a: {  	s17 =	simm.s32 $0x0;
	[bflag:$0x0] =	sbarrier.arrive $0xFFFF  }
0x1b: {  	[tilespmem:s15], [sflag:$0x1] =	stream.indirect.gather [hbm4b:s4+s14], $0x80, s17, s14, $0xb8;
	[tilespmem:$0x1D000] =	vst v63  }
0x1c: {  	_ =	swait.ge [sflag:s10], $0x4000  }
0x1d: {  	[sflag:s10] =	ssyncset.done $0x0  }
0x1e: {  	s31 =	simm.s32 $0x2800;
	[sflag:s10] =	ssyncadd.s32 $0xFFFFC000  }
0x1f: {  	[spmem:s2] =	stream.indirect.scatter.add.f32 [tilespmem:s15], [sflag:$0x1], $0x80, s31, s14, $0xb8;
	[tilespmem:$0x1D000] =	vst v63  }
0x20: {  	_ =	swait.ge [sflag:s10], $0x4000  }
0x21: {  	s18 =	simm.s32 $0x400;
	s17 =	simm.s32 $0x200;
	[sflag:s10] =	ssyncset.done $0x0  }
.LBB2_2:
0x22: {  	s19 =	sshra.s32 s17, $0x2  }
0x23: {  	[sflag:s10] =	ssyncadd.s32 $0xFFFFC000;
	s17 =	smov.u32 s18;
	s20 =	sadd.s32 $0x200, s18  }
0x24: {  	[tilespmem:s15], [sflag:$0x1] =	stream.indirect.gather [hbm4b:s4+s14], $0x80, s19, s14, $0xb8;
	[tilespmem:$0x1D000] =	vst v63  }
0x25: {  	p0 =	sne.s32 s18, $0x9E00;
	_ =	swait.ge [sflag:s10], $0x4000  }
.Ltmp0:
0x26: {  	[sflag:s10] =	ssyncset.done $0x0;
	(pc) =	sbr.rel @p0 .LBB2_2-.Ltmp0, $4  }
0x27: {  	s18 =	sadd.s32 $0x2800, s19;
	[sflag:s10] =	ssyncadd.s32 $0xFFFFC000  }
0x28: {  	[spmem:s2] =	stream.indirect.scatter.add.f32 [tilespmem:s15], [sflag:$0x1], $0x80, s18, s14, $0xb8;
	[tilespmem:$0x1D000] =	vst v63  }
0x29: {  	_ =	swait.ge [sflag:s10], $0x4000  }
0x2a: {  	s18 =	smov.u32 s20;
	[sflag:s10] =	ssyncset.done $0x0  }
0x2b: {  	s17 =	sshra.s32 s17, $0x2;
	[sflag:s10] =	ssyncadd.s32 $0xFFFFC000  }
0x2c: {  	[tilespmem:s15], [sflag:$0x1] =	stream.indirect.gather [hbm4b:s4+s14], $0x80, s17, s14, $0xb8;
	[tilespmem:$0x1D000] =	vst v63  }
0x2d: {  	_ =	swait.ge [sflag:s10], $0x4000  }
0x2e: {  	[sflag:s10] =	ssyncset.done $0x0  }
0x2f: {  	s17 =	sadd.s32 $0x2800, s17;
	[sflag:s10] =	ssyncadd.s32 $0xFFFFC000  }
0x30: {  	[spmem:s2] =	stream.indirect.scatter.add.f32 [tilespmem:s15], [sflag:$0x1], $0x80, s17, s14, $0xb8;
	[tilespmem:$0x1D000] =	vst v63  }
0x31: {  	_ =	swait.ge [sflag:s10], $0x4000  }
0x32: {  	s16 =	sadd.s32 $0x1, s16;
	[sflag:s10] =	ssyncset.done $0x0  }
0x33: {  	p0 =	sne.s32 s16, s9;
	[sflag:s10] =	ssyncadd.s32 $0xFFFFC000  }
.Ltmp1:
0x34: {  	[bflag:$0x0] =	sbarrier.arrive $0xFFFF;
	(pc) =	sbr.rel @p0 .LBB2_1-.Ltmp1, $4  }
0x35: {  	[hbm:s8], [sflag:s12] =	dma.local [spmem:s13], $0x2800  }
0x36: {  	_ =	swait.ge [sflag:s10], $0x2800  }
0x37: {  	[sflag:s10] =	ssyncset.done $0x0  }
0x38: {  	[sflag:s10] =	ssyncadd.s32 $0xFFFFD800  }
0x39: {  	_ =	sfence.sel $0x180000  }
0x3a: {  	[bflag:$0x0] =	sbarrier.arrive $0xFFFF  }
0x3b: {  	p0 =	sne.s32 s0, $0x0;
	_ =	strace $0x90000053  }
0x3c: {  	s0 =	sadd.s32 @!p0 $0x100000, s1;
	[bflag:$0x2] =	sbarrier.arrive $0xFFFF  }
0x3d: {  	[sflag:s0] =	ssyncadd.tile.s32 @!p0 $0x1;
	_ =	shalt  }
.Lfunc_end2:
_tile_overlayer_lowered:
.L_overlay_start_2:
0x3e: {  	(tag) =	ssettag $0x2  }
0x3f: {  	s0 =	rddreg [dreg:$0x0];
	s2 =	stileid.u32  }
0x40: {  	s1 =	rddreg [dreg:$0x1];
	p0 =	sne.s32 s2, $0x0  }
0x41: {  	s3 =	rddreg [dreg:$0x2];
	[bflag:$0x3] =	sbarrier.arrive $0xFFFF;
	s2 =	simm.s32 @!p0 $0x1C01  }
0x42: {  	[timem:s3], [sflag:s2] =	dma.local @!p0 [hbm:s0], s1  }
0x43: {  	s0 =	simm.s32 @!p0 $0x1  }
0x44: {  	_ =	swait.ge @!p0 [sflag:s0], s1  }
0x45: {  	s1 =	ssub.s32 @!p0 $0x0, s1;
	[sflag:s0] =	ssyncset.done @!p0 $0x0  }
0x46: {  	[sflag:s0] =	ssyncadd.s32 @!p0 s1  }
0x47: {  	[bflag:$0x3] =	sbarrier.arrive $0xFFFF  }
0x48: {  	_ =	shalt  }

// kernel: kernel.23.cloned.1.call-start
scs
__scs_entry_jumppad:
0x0: {  	(pc) =	sbr.rel $0x88, $3  }
0x1: {  	(tag) =	ssettag $0x0;
	lr =	simm.s32 $0x1  }
0x2: {  	[smem:$0x3F94] =	sst lr;
	_ =	strace $0xD0000000  }
0x3: {  	_ = 	snop  }
0x4: {  	_ = 	snop  }
0x5: {  	_ = 	snop  }
0x6: {  	_ = 	snop  }
0x7: {  	_ = 	snop  }
__scs_overlays_trampoline_lowered:
0x8: {  	[smem:$0x3FA3] =	sst s0  }
0x9: {  	[smem:$0x3FA4] =	sst s1  }
0xa: {  	[smem:$0x3FA5] =	sst s2  }
0xb: {  	[smem:$0x3FA6] =	sst s3  }
0xc: {  	[smem:$0x3FA7] =	sst s4  }
0xd: {  	[smem:$0x3FA8] =	sst s5  }
0xe: {  	[smem:$0x3FA9] =	sst s6  }
0xf: {  	[smem:$0x3FAA] =	sst s7  }
0x10: {  	[smem:$0x3FAB] =	sst s8  }
0x11: {  	[smem:$0x3FAC] =	sst s9;
	s0 =	simm.s32 @!p0 $0x0  }
0x12: {  	s1 =	sld [smem:$0x3F92];
	s0 =	simm.s32 @p0 $0x1  }
0x13: {  	[smem:$0x3FAD] =	sst s0;
	s0 =	simm.s32 @!p1 $0x0  }
0x14: {  	s2 =	sld [smem:$0x3F91];
	s0 =	simm.s32 @p1 $0x1  }
0x15: {  	[smem:$0x3FAE] =	sst s0;
	s0 =	simm.s32 @!p2 $0x0  }
0x16: {  	s3 =	sld [smem:$0x3FDB];
	s0 =	simm.s32 @p2 $0x1  }
0x17: {  	s4 =	simm.s32 $0x1BF5;
	[smem:$0x3FB0] =	sst s0  }
0x18: {  	s0 =	sld [smem:$0x3F93];
	_ =	swait.ge [sflag:s4], $0x0  }
0x19: {  	s7 =	sld [smem:$0x3F94]  }
0x1a: {  	s8 =	sadd.s32 $0xFFFFE003, lr  }
0x1b: {  	s9 =	sadd.s32 $0xFFFFFEF7, lr;
	s5 =	simm.s32 $0xFFFFFFFF;
	p2 =	slt.u32 s8, $0xFFFFF086  }
0x1c: {  	p1 =	slt.u32 s9, $0xF7A;
	s5 =	simm.s32 @!p2 $0x0  }
0x1d: {  	s5 =	simm.s32 @p1 $0x1;
	p0 =	seq.s32 s7, s2  }
0x1e: {  	s7 =	smul.u32 @!p0 $0xF7A, s2;
	p2 =	seq.s32 @!p0 s5, $0x0  }
0x1f: {  	s9 =	smul.u32 $0xF7A, s1;
	s8 =	simm.s32 @!p0 $0x1BF5;
	p2 =	por !p2, p0  }
0x20: {  	[sflag:s8] =	ssyncset.s32 @!p0 $0xFFFFF086;
	s6 =	sadd.s32 @!p0 s3, s7;
	s7 =	simm.s32 @!p0 $0x108  }
0x21: {  	s3 =	sadd.s32 s3, s9;
	s6 =	sadd.s32 @!p0 $0x88, s6;
	s7 =	simm.s32 @p2 $0x1082  }
0x22: {  	[simem:s7], [sflag:s8] =	dma.local @!p0 [hbm:s6], $0xF7A  }
0x23: {  	s9 =	sor.u32 $0xD0000000, s2;
	s6 =	simm.s32 $0x108;
	_ =	swait.ge @!p0 [sflag:s8], $0x0  }
0x24: {  	s3 =	sadd.s32 $0x88, s3;
	s6 =	simm.s32 @!p1 $0x1082;
	[sflag:s4] =	ssyncset.s32 $0xFFFFF086  }
0x25: {  	[simem:s6], [sflag:s4] =	dma.local [hbm:s3], $0xF7A  }
0x26: {  	[smem:$0x3F94] =	sst s1;
	(tag) =	ssettag s2;
	_ =	strace s9  }
0x27: {  	s1 =	sld [smem:$0x3FA4]  }
0x28: {  	s2 =	sld [smem:$0x3FA5]  }
0x29: {  	s4 =	sld [smem:$0x3FA7]  }
0x2a: {  	p0 =	seq.s32 s5, $0x0;
	s5 =	sld [smem:$0x3FA8]  }
0x2b: {  	s6 =	sld [smem:$0x3FA9]  }
0x2c: {  	s7 =	sld [smem:$0x3FAA]  }
0x2d: {  	s3 =	simm.s32 $0x108;
	s8 =	sld [smem:$0x3FAB]  }
0x2e: {  	s3 =	simm.s32 @!p0 $0x1082;
	s9 =	sld [smem:$0x3FAC]  }
0x2f: {  	lr =	sadd.s32 s0, s3;
	s0 =	sld [smem:$0x3FA3]  }
0x30: {  	s3 =	sld [smem:$0x3FA6]  }
0x31: {  	[smem:$0x3FAF] =	sst s10  }
0x32: {  	s10 =	sld [smem:$0x3FAD];
	_ =	sdelay $0x3  }
0x33: {  	p0 =	seq.s32 s10, $0x1;
	s10 =	sld [smem:$0x3FAF];
	_ =	sdelay $0x3  }
0x34: {  	[smem:$0x3FAF] =	sst s10  }
0x35: {  	s10 =	sld [smem:$0x3FAE];
	_ =	sdelay $0x3  }
0x36: {  	p1 =	seq.s32 s10, $0x1;
	s10 =	sld [smem:$0x3FAF];
	_ =	sdelay $0x3  }
0x37: {  	[smem:$0x3FAF] =	sst s10  }
0x38: {  	s10 =	sld [smem:$0x3FB0]  }
0x39: {  	_ = 	snop;
	(pc) =	sbr.ind lr, $3  }
0x3a: {  	_ = 	snop  }
0x3b: {  	_ = 	snop  }
0x3c: {  	p2 =	seq.s32 s10, $0x1;
	s10 =	sld [smem:$0x3FAF]  }
0x3d: {  	_ =	shalt  }
0x3e: {  	_ =	shalt  }
0x3f: {  	_ =	shalt  }
0x40: {  	_ =	shalt  }
0x41: {  	_ =	shalt  }
0x42: {  	_ =	shalt  }
0x43: {  	_ =	shalt  }
0x44: {  	_ =	shalt  }
0x45: {  	_ =	shalt  }
0x46: {  	_ =	shalt  }
0x47: {  	_ =	shalt  }
0x48: {  	_ =	shalt  }
0x49: {  	_ =	shalt  }
0x4a: {  	_ =	shalt  }
0x4b: {  	_ =	shalt  }
0x4c: {  	_ =	shalt  }
0x4d: {  	_ =	shalt  }
0x4e: {  	_ =	shalt  }
0x4f: {  	_ =	shalt  }
0x50: {  	_ =	shalt  }
0x51: {  	_ =	shalt  }
0x52: {  	_ =	shalt  }
0x53: {  	_ =	shalt  }
0x54: {  	_ =	shalt  }
0x55: {  	_ =	shalt  }
0x56: {  	_ =	shalt  }
0x57: {  	_ =	shalt  }
0x58: {  	_ =	shalt  }
0x59: {  	_ =	shalt  }
0x5a: {  	_ =	shalt  }
0x5b: {  	_ =	shalt  }
0x5c: {  	_ =	shalt  }
0x5d: {  	_ =	shalt  }
0x5e: {  	_ =	shalt  }
0x5f: {  	_ =	shalt  }
0x60: {  	_ =	shalt  }
0x61: {  	_ =	shalt  }
0x62: {  	_ =	shalt  }
0x63: {  	_ =	shalt  }
0x64: {  	_ =	shalt  }
0x65: {  	_ =	shalt  }
0x66: {  	_ =	shalt  }
0x67: {  	_ =	shalt  }
0x68: {  	_ =	shalt  }
0x69: {  	_ =	shalt  }
0x6a: {  	_ =	shalt  }
0x6b: {  	_ =	shalt  }
0x6c: {  	_ =	shalt  }
0x6d: {  	_ =	shalt  }
0x6e: {  	_ =	shalt  }
0x6f: {  	_ =	shalt  }
0x70: {  	_ =	shalt  }
0x71: {  	_ =	shalt  }
0x72: {  	_ =	shalt  }
0x73: {  	_ =	shalt  }
0x74: {  	_ =	shalt  }
0x75: {  	_ =	shalt  }
0x76: {  	_ =	shalt  }
0x77: {  	_ =	shalt  }
0x78: {  	_ =	shalt  }
0x79: {  	_ =	shalt  }
0x7a: {  	_ =	shalt  }
0x7b: {  	_ =	shalt  }
0x7c: {  	_ =	shalt  }
0x7d: {  	_ =	shalt  }
0x7e: {  	_ =	shalt  }
0x7f: {  	_ =	shalt  }
0x80: {  	_ =	shalt  }
0x81: {  	_ =	shalt  }
0x82: {  	_ =	shalt  }
0x83: {  	_ =	shalt  }
0x84: {  	_ =	shalt  }
0x85: {  	_ =	shalt  }
0x86: {  	_ =	shalt  }
0x87: {  	_ =	shalt  }
.Lfunc_end0:
.L_simem_size_0:
called_computation.4_lowered:
.L_overlay_start_0:
0x88: {  	s2 =	sld [smem:$0x3FD9]  }
0x89: {  	s3 =	sld [smem:$0x3FFE];
	_ =	sdelay $0x1  }
0x8a: {  	s1 =	srdreg.scid  }
0x8b: {  	s0 =	sand.u32 $0x1, s1  }
0x8c: {  	s16 =	sshll.u32 s0, $0xA;
	s2 =	sadd.s32 s3, s2  }
0x8d: {  	s2 =	sadd.s32 s2, s16  }
0x8e: {  	[smem:$0x3FBB] =	sst s2  }
0x8f: {  	_ = 	snop  }
0x90: {  	(tm) =	ssettm $0x1  }
0x91: {  	s17 =	sld [smem:$0x3FFB];
	_ =	sdelay $0x3  }
0x92: {  	_ =	strace s17  }
0x93: {  	s2 =	sld [smem:$0x3FFC];
	_ =	sdelay $0x3  }
0x94: {  	_ =	strace s2  }
0x95: {  	s2 =	sld [smem:$0x3FFD];
	_ =	sdelay $0x3  }
0x96: {  	_ =	strace s2  }
0x97: {  	_ =	strace $0x8FFFFFFF  }
0x98: {  	s18 =	sld [smem:$0x3FDB];
	_ =	sdelay $0x1  }
0x99: {  	s19 =	simm.s32 $_scs_section_size  }
0x9a: {  	s4 =	simm.s32 $_size__tile_overlayer_lowered;
	s5 =	simm.s32 $_tile_overlayer_lowered  }
0x9b: {  	s22 =	simm.s32 $0x1BFF;
	s21 =	sshll.u32 s5, $0x1;
	s2 =	sadd.s32 s19, s18  }
0x9c: {  	s6 =	simm.s32 $0x0;
	s20 =	sshll.u32 s4, $0x1;
	s4 =	sadd.s32 s21, s2  }
0x9d: {  	[timem:s6], [sflag:s22] =	dma.local [hbm:s4], s20  }
0x9e: {  	_ =	swait.ge [sflag:s22], s20  }
0x9f: {  	s3 =	ssub.s32 $0x0, s20;
	[sflag:s22] =	ssyncset.done $0x0  }
0xa0: {  	[sflag:s22] =	ssyncadd.s32 s3;
	_ =	sdelay $0x1  }
0xa1: {  	s23 =	simm.s32 $0x1B8B  }
0xa2: {  	_ =	swait.ge [sflag:s23], $0x1  }
0xa3: {  	[sflag:s23] =	ssyncset.done $0x0  }
0xa4: {  	s25 =	simm.s32 $0x1B8E;
	s24 =	sld [smem:$0x3FFE];
	[sflag:s23] =	ssyncadd.s32 $0xFFFFFFFF  }
0xa5: {  	s26 =	simm.s32 $execute0_lowered;
	[smem:$0x3FD2] =	sst s25  }
0xa6: {  	s4 =	sshll.u32 s26, $0x1;
	_ =	strace $0x8000004F;
	[dreg:$0x1] =	wrdreg $0xFFFFFFFF  }
0xa7: {  	s28 =	simm.s32 $_size_execute0_lowered;
	s2 =	sadd.s32 s2, s4;
	[dreg:$0x0] =	wrdreg $0x0  }
0xa8: {  	s4 =	sshll.u32 s28, $0x1;
	[dreg:$0x2] =	wrdreg s2  }
0xa9: {  	[dreg:$0x3] =	wrdreg s4  }
0xaa: {  	[dreg:$0x4] =	wrdreg $0xC0  }
0xab: {  	_ =	task [dreg:s6], $0x5FFFF  }
0xac: {  	[dreg:$0x1] =	wrdreg $0xFFFFFFFF  }
0xad: {  	[dreg:$0x0] =	wrdreg $0x60  }
0xae: {  	[dreg:$0x2] =	wrdreg s24  }
0xaf: {  	[dreg:$0x3] =	wrdreg $0x90000  }
0xb0: {  	[dreg:$0x4] =	wrdreg $0xA  }
0xb1: {  	_ =	task.clear_ibuf [dreg:s6], $0x5FFFF;
	_ =	strace $0x9000004F  }
0xb2: {  	s29 =	simm.s32 $0xA;
	_ =	strace $0x80000051  }
0xb3: {  	_ =	swait.ge [sflag:s29], $0x1  }
0xb4: {  	[sflag:s29] =	ssyncadd.s32 $0xFFFFFFFF  }
0xb5: {  	_ =	strace $0x90000051  }
0xb6: {  	_ =	sfence  }
0xb7: {  	s30 =	sld [smem:$0x0];
	_ =	sdelay $0x2  }
0xb8: {  	s31 =	sshll.u32 s1, $0xD;
	s1 =	sshrl.u32 s1, $0x2  }
0xb9: {  	s3 =	sand.u32 $0x4000, s31;
	s1 =	sadd.s32 s1, s30  }
0xba: {  	s0 =	sor.u32 s3, s0;
	s1 =	sshll.u32 s1, $0x11  }
0xbb: {  	s0 =	sor.u32 s1, s0  }
0xbc: {  	s0 =	sadd.s32 $0x8F2B, s0  }
0xbd: {  	[sflag:s0] =	ssyncadd.remote.s32 $0x1  }
0xbe: {  	_ =	sfence.sel $0xFFFF  }
0xbf: {  	[dreg:$0x0] =	wrdreg $0xFFFFFFFF;
	(pc) =	sbr.abs _section_cstart, $3  }
0xc0: {  	[dreg:$0x1] =	wrdreg $0xFFFFFFFF  }
0xc1: {  	_ =	task.clear_ibuf [dreg:s6], $0x2FFFF;
	_ =	strace $0x9FFFFFFF  }
0xc2: {  	(tm) =	ssettm $0x7FFFFFFF  }
0xc3: {  	_ =	shalt  }
tec
execute0_lowered:
.L_overlay_start_1:
0x0: {  	(tag) =	ssettag $0x1  }
0x1: {  	s0 =	srdreg.scid;
	s6 =	rddreg [dreg:$0x0]  }
0x2: {  	s2 =	rddreg [dreg:$0x1];
	s3 =	simm.s32 $0x0;
	s11 =	simm.s32 $0x2800  }
0x3: {  	s14 =	simm.s32 $0x80;
	s15 =	simm.s32 $0x5000;
	s5 =	sand.u32 $0x1, s0  }
0x4: {  	s16 =	simm.s32 $0x0;
	s0 =	stileid.u32;
	s8 =	smul.u32 $0x140000, s5  }
0x5: {  	[smem:$0x7FF] =	sst s3;
	s4 =	sadd.s32 $0x10400, s6;
	s9 =	smul.u32 $0x14000, s0  }
0x6: {  	s1 =	sshll.u32 s5, $0x4;
	s30 =	ssub.s32 $0x2, s5;
	s10 =	smul.u32 $0x50000, s0  }
0x7: {  	s5 =	sadd.s32 $0xDC00, s6;
	s12 =	sshll.u32 s0, $0x6;
	s1 =	sor.u32 s0, s1  }
0x8: {  	s31 =	sshrl.u32 s30, $0x1;
	s12 =	sor.u32 $0x1C01, s12;
	s7 =	smul.u32 $0x500, s1  }
0x9: {  	s1 =	rddreg [dreg:$0x2];
	_ =	strace $0x80000050;
	s8 =	sadd.s32 s9, s8  }
0xa: {  	s9 =	ssub.s32 s30, s31;
	s10 =	sshrl.u32 s10, $0x2;
	s8 =	sshrl.u32 s8, $0x3  }
0xb: {  	s13 =	sadd.s32 s10, s2;
	s9 =	smax.u32 s9, $0x1;
	s10 =	simm.s32 $0x1  }
0xc: {  	s7 =	sadd.s32 s7, s6;
	s8 =	sadd.s32 s8, s6;
	s13 =	sshrl.u32 s13, $0x3  }
0xd: {  	s6 =	sadd.s32 $0x60C00, s7;
	s7 =	sadd.s32 $0x3C00, s7;
	s8 =	sadd.s32 $0x6AC00, s8  }
.LBB2_1:
0xe: {  	[tilespmem:s3], [sflag:$0x1] =	stream.linear.gather [hbm4b:s6+s3], $0x2800, $0x38;
	[tilespmem:$0x1D000] =	vst v63  }
0xf: {  	_ =	swait.ge [sflag:s10], $0x2800  }
0x10: {  	[sflag:s10] =	ssyncset.done $0x0  }
0x11: {  	[sflag:s10] =	ssyncadd.s32 $0xFFFFD800  }
0x12: {  	[tilespmem:s11], [sflag:$0x1] =	stream.linear.gather [hbm4b:s7+s3], $0x2800, $0x38;
	[tilespmem:$0x1D000] =	vst v63  }
0x13: {  	_ =	swait.ge [sflag:s10], $0x2800  }
0x14: {  	[sflag:s10] =	ssyncset.done $0x0  }
0x15: {  	[sflag:s10] =	ssyncadd.s32 $0xFFFFD800  }
0x16: {  	[spmem:s13], [sflag:s12] =	dma.local [hbm:s5], $0x2800  }
0x17: {  	_ =	swait.ge [sflag:s10], $0x2800  }
0x18: {  	[sflag:s10] =	ssyncset.done $0x0  }
0x19: {  	[sflag:s10] =	ssyncadd.s32 $0xFFFFD800  }
0x1a: {  	s17 =	simm.s32 $0x0;
	[bflag:$0x0] =	sbarrier.arrive $0xFFFF  }
0x1b: {  	[tilespmem:s15], [sflag:$0x1] =	stream.indirect.gather [hbm4b:s4+s14], $0x80, s17, s14, $0xb8;
	[tilespmem:$0x1D000] =	vst v63  }
0x1c: {  	_ =	swait.ge [sflag:s10], $0x4000  }
0x1d: {  	[sflag:s10] =	ssyncset.done $0x0  }
0x1e: {  	s31 =	simm.s32 $0x2800;
	[sflag:s10] =	ssyncadd.s32 $0xFFFFC000  }
0x1f: {  	[spmem:s2] =	stream.indirect.scatter.add.f32 [tilespmem:s15], [sflag:$0x1], $0x80, s31, s14, $0xb8;
	[tilespmem:$0x1D000] =	vst v63  }
0x20: {  	_ =	swait.ge [sflag:s10], $0x4000  }
0x21: {  	s18 =	simm.s32 $0x400;
	s17 =	simm.s32 $0x200;
	[sflag:s10] =	ssyncset.done $0x0  }
.LBB2_2:
0x22: {  	s19 =	sshra.s32 s17, $0x2  }
0x23: {  	[sflag:s10] =	ssyncadd.s32 $0xFFFFC000;
	s17 =	smov.u32 s18;
	s20 =	sadd.s32 $0x200, s18  }
0x24: {  	[tilespmem:s15], [sflag:$0x1] =	stream.indirect.gather [hbm4b:s4+s14], $0x80, s19, s14, $0xb8;
	[tilespmem:$0x1D000] =	vst v63  }
0x25: {  	p0 =	sne.s32 s18, $0x9E00;
	_ =	swait.ge [sflag:s10], $0x4000  }
.Ltmp0:
0x26: {  	[sflag:s10] =	ssyncset.done $0x0;
	(pc) =	sbr.rel @p0 .LBB2_2-.Ltmp0, $4  }
0x27: {  	s18 =	sadd.s32 $0x2800, s19;
	[sflag:s10] =	ssyncadd.s32 $0xFFFFC000  }
0x28: {  	[spmem:s2] =	stream.indirect.scatter.add.f32 [tilespmem:s15], [sflag:$0x1], $0x80, s18, s14, $0xb8;
	[tilespmem:$0x1D000] =	vst v63  }
0x29: {  	_ =	swait.ge [sflag:s10], $0x4000  }
0x2a: {  	s18 =	smov.u32 s20;
	[sflag:s10] =	ssyncset.done $0x0  }
0x2b: {  	s17 =	sshra.s32 s17, $0x2;
	[sflag:s10] =	ssyncadd.s32 $0xFFFFC000  }
0x2c: {  	[tilespmem:s15], [sflag:$0x1] =	stream.indirect.gather [hbm4b:s4+s14], $0x80, s17, s14, $0xb8;
	[tilespmem:$0x1D000] =	vst v63  }
0x2d: {  	_ =	swait.ge [sflag:s10], $0x4000  }
0x2e: {  	[sflag:s10] =	ssyncset.done $0x0  }
0x2f: {  	s17 =	sadd.s32 $0x2800, s17;
	[sflag:s10] =	ssyncadd.s32 $0xFFFFC000  }
0x30: {  	[spmem:s2] =	stream.indirect.scatter.add.f32 [tilespmem:s15], [sflag:$0x1], $0x80, s17, s14, $0xb8;
	[tilespmem:$0x1D000] =	vst v63  }
0x31: {  	_ =	swait.ge [sflag:s10], $0x4000  }
0x32: {  	s16 =	sadd.s32 $0x1, s16;
	[sflag:s10] =	ssyncset.done $0x0  }
0x33: {  	p0 =	sne.s32 s16, s9;
	[sflag:s10] =	ssyncadd.s32 $0xFFFFC000  }
.Ltmp1:
0x34: {  	[bflag:$0x0] =	sbarrier.arrive $0xFFFF;
	(pc) =	sbr.rel @p0 .LBB2_1-.Ltmp1, $4  }
0x35: {  	[hbm:s8], [sflag:s12] =	dma.local [spmem:s13], $0x2800  }
0x36: {  	_ =	swait.ge [sflag:s10], $0x2800  }
0x37: {  	[sflag:s10] =	ssyncset.done $0x0  }
0x38: {  	[sflag:s10] =	ssyncadd.s32 $0xFFFFD800  }
0x39: {  	_ =	sfence.sel $0x180000  }
0x3a: {  	[bflag:$0x0] =	sbarrier.arrive $0xFFFF  }
0x3b: {  	p0 =	sne.s32 s0, $0x0;
	_ =	strace $0x90000050  }
0x3c: {  	s0 =	sadd.s32 @!p0 $0x100000, s1;
	[bflag:$0x2] =	sbarrier.arrive $0xFFFF  }
0x3d: {  	[sflag:s0] =	ssyncadd.tile.s32 @!p0 $0x1;
	_ =	shalt  }
.Lfunc_end2:
_tile_overlayer_lowered:
.L_overlay_start_2:
0x3e: {  	(tag) =	ssettag $0x2  }
0x3f: {  	s0 =	rddreg [dreg:$0x0];
	s2 =	stileid.u32  }
0x40: {  	s1 =	rddreg [dreg:$0x1];
	p0 =	sne.s32 s2, $0x0  }
0x41: {  	s3 =	rddreg [dreg:$0x2];
	[bflag:$0x3] =	sbarrier.arrive $0xFFFF;
	s2 =	simm.s32 @!p0 $0x1C01  }
0x42: {  	[timem:s3], [sflag:s2] =	dma.local @!p0 [hbm:s0], s1  }
0x43: {  	s0 =	simm.s32 @!p0 $0x1  }
0x44: {  	_ =	swait.ge @!p0 [sflag:s0], s1  }
0x45: {  	s1 =	ssub.s32 @!p0 $0x0, s1;
	[sflag:s0] =	ssyncset.done @!p0 $0x0  }
0x46: {  	[sflag:s0] =	ssyncadd.s32 @!p0 s1  }
0x47: {  	[bflag:$0x3] =	sbarrier.arrive $0xFFFF  }
0x48: {  	_ =	shalt  }

</sc_bundles>
